<compile_context>
chip_gen: v7x
topology: tpu7x:2x2x1
jax: 0.10.2.dev20260603
libtpu: 0.0.44.dev20260713+nightly
codegen_flags: <defaults>
</compile_context>

<pallas_src>
import functools

import jax
import jax.numpy as jnp
from jax import lax
from jax.experimental import pallas as pl
from jax.experimental.pallas import tpu as pltpu
from jax.experimental.pallas import tpu_sc as plsc

D = 128
L = 512
CTX = 255
B = 1024
BL = B * L
NC, NS = 2, 16
NW = NC * NS
HALF = L // 2
BPW = B // (NW // 2)
C = 128
GC = BPW * HALF // C
NBUF = 2
LANES = 16
GROUPS = D // LANES


def _sc_body(seq_hbm, tok_hbm, pos_hbm, seg_hbm, out_hbm,
             idx_v, buf_v, bias_v, seg_v, gsems, osems):
    wid = lax.axis_index("s") * NC + lax.axis_index("c")
    h = wid % 2
    b0 = (wid // 2) * BPW

    pltpu.sync_copy(seq_hbm.at[pl.ds(h * B + b0, BPW)], idx_v)

    pltpu.sync_copy(pos_hbm.at[pl.ds(h * HALF, HALF)], bias_v)
    pltpu.sync_copy(seg_hbm, seg_v)
    s_first = 1 + 2 * h
    s_rest = 2 + 2 * h
    for grp in range(GROUPS):
        sl = pl.ds(grp * LANES, LANES)
        plsc.addupdate(bias_v.at[0, sl], seg_v[s_first, sl])

    @plsc.parallel_loop(1, HALF, unroll=4)
    def _(r):
        for grp in range(GROUPS):
            sl = pl.ds(grp * LANES, LANES)
            plsc.addupdate(bias_v.at[r, sl], seg_v[s_rest, sl])

    def start_gather(g, slot, sem):
        pltpu.async_copy(
            tok_hbm.at[idx_v.at[g // 2, pl.ds((g % 2) * C, C)]],
            buf_v.at[slot], sem)

    for g in range(NBUF - 1):
        start_gather(g, g, gsems[g])

    def ring_body(go, carry):
        for s in range(NBUF):
            g = go * NBUF + s
            nxt = (s + NBUF - 1) % NBUF
            pltpu.make_async_copy(
                tok_hbm.at[idx_v.at[0, pl.ds(0, C)]], buf_v.at[s],
                gsems[s]).wait()

            @pl.when(g >= 1)
            def _():
                pltpu.make_async_copy(
                    buf_v.at[nxt], out_hbm.at[pl.ds(0, C)],
                    osems[nxt]).wait()

            @pl.when(g + NBUF - 1 < GC)
            def _():
                start_gather(g + NBUF - 1, nxt, gsems[nxt])

            @plsc.parallel_loop(0, C, unroll=4)
            def _(r):
                for grp in range(GROUPS):
                    sl = pl.ds(grp * LANES, LANES)
                    plsc.addupdate(buf_v.at[s, r, sl],
                                   bias_v[(s % 2) * C + r, sl])

            row0 = (b0 + g // 2) * L + h * HALF + (s % 2) * C
            pltpu.async_copy(
                buf_v.at[s], out_hbm.at[pl.ds(row0, C)], osems[s])
        return carry

    lax.fori_loop(0, GC // NBUF, ring_body, 0)

    pltpu.make_async_copy(
        buf_v.at[NBUF - 1], out_hbm.at[pl.ds(0, C)],
        osems[NBUF - 1]).wait()


_sc_embed = functools.partial(
    pl.kernel,
    out_type=jax.ShapeDtypeStruct((BL, D), jnp.float32),
    mesh=plsc.VectorSubcoreMesh(core_axis_name="c", subcore_axis_name="s",
                                num_cores=NC, num_subcores=NS),
    scratch_types=[
        pltpu.VMEM((BPW, HALF), jnp.int32),
        pltpu.VMEM((NBUF, C, D), jnp.float32),
        pltpu.VMEM((HALF, D), jnp.float32),
        pltpu.VMEM((5, D), jnp.float32),
        [pltpu.SemaphoreType.DMA] * NBUF,
        [pltpu.SemaphoreType.DMA] * NBUF,
    ],
)(_sc_body)


def kernel(sequence, token_table, pos_table, seg_table):
    seq2 = sequence.reshape(B, 2, HALF).transpose(1, 0, 2).reshape(2 * B, HALF)
    pos_shifted = lax.slice_in_dim(pos_table, 1, L + 1, axis=0)
    out = _sc_embed(seq2, token_table, pos_shifted, seg_table)
    return out.reshape(B, L, D)

# --- scband reference (transcript-rebuilt; emitter-appended) ---
"""Pipeline reference for scband-bertembedding-42485816492276 (READ-ONLY COPY).

The authoritative reference and input builder live on the scoring server;
editing this copy changes nothing except your own understanding.
"""

import jax, jax.numpy as jnp
import numpy as np

VOCAB = 1000000
D = 128
L = 512        # input_len
CTX = 255      # context_len; 2*CTX + 2 == L
B = 1024


def setup_inputs(seed: int = 0) -> dict:
    key = jax.random.key(seed)
    k1, k2, k3, k4 = jax.random.split(key, 4)
    sequence = jax.random.randint(k1, (B, L), 0, VOCAB, dtype=jnp.int32)
    token_table = jax.random.normal(k2, (VOCAB, D), dtype=jnp.float32) * 0.02
    token_table = token_table.at[0].set(0.0)  # padding_idx=0
    pos_table = jax.random.normal(k3, (L + 1, D), dtype=jnp.float32) * 0.02
    pos_table = pos_table.at[0].set(0.0)  # padding_idx=0
    seg_table = jax.random.normal(k4, (5, D), dtype=jnp.float32) * 0.02
    seg_table = seg_table.at[0].set(0.0)  # padding_idx=0
    return {
        "sequence": sequence,
        "token_table": token_table,
        "pos_table": pos_table,
        "seg_table": seg_table,
    }


def _labels():
    position_label = jnp.arange(1, L + 1, dtype=jnp.int32)
    segment_label = jnp.concatenate([
        jnp.array([1], dtype=jnp.int32),
        jnp.full((CTX,), 2, dtype=jnp.int32),
        jnp.array([3], dtype=jnp.int32),
        jnp.full((CTX,), 4, dtype=jnp.int32),
    ])
    return position_label, segment_label


def reference(sequence, token_table, pos_table, seg_table):
    position_label, segment_label = _labels()
    tok = jnp.take(token_table, sequence, axis=0)            # [B, L, D]
    pos = jnp.take(pos_table, position_label, axis=0)         # [L, D]
    seg = jnp.take(seg_table, segment_label, axis=0)          # [L, D]
    x = tok + pos[None, :, :] + seg[None, :, :]
    # dropout is identity in eval mode
    return x

if __name__ == "__main__":
    import jax
    _d = setup_inputs()
    print(jax.jit(kernel)(*tuple(_d.values())))

</pallas_src>

<mosaic_0001>
#map = affine_map<(d0, d1) -> (0, 0)>
module attributes {stable_mosaic.version = 14 : i64} {
  func.func @_sc_body(%arg0: i32, %arg1: i32, %arg2: memref<2048x256xi32, #tpu.memory_space<hbm>>, %arg3: memref<1000000x128xf32, #tpu.memory_space<hbm>>, %arg4: memref<512x128xf32, #tpu.memory_space<hbm>>, %arg5: memref<5x128xf32, #tpu.memory_space<hbm>>, %arg6: memref<524288x128xf32, #tpu.memory_space<hbm>>, %arg7: memref<64x256xi32, #tpu.memory_space<vmem>>, %arg8: memref<2x128x128xf32, #tpu.memory_space<vmem>>, %arg9: memref<256x128xf32, #tpu.memory_space<vmem>>, %arg10: memref<5x128xf32, #tpu.memory_space<vmem>>, %arg11: memref<!tpu.dma_semaphore, #tpu.memory_space<semaphore_mem>>, %arg12: memref<!tpu.dma_semaphore, #tpu.memory_space<semaphore_mem>>, %arg13: memref<!tpu.dma_semaphore, #tpu.memory_space<semaphore_mem>>, %arg14: memref<!tpu.dma_semaphore, #tpu.memory_space<semaphore_mem>>) attributes {dimension_semantics = [#tpu.dimension_semantics<core_parallel>, #tpu.dimension_semantics<subcore_parallel>], iteration_bounds = array<i64: 2, 16>, scalar_prefetch = 0 : i64, scratch_operands = 8 : i64, tpu.core_type = #tpu.core_type<sc_vector_subcore>, window_params = [{transform_indices = #map}, {transform_indices = #map}, {transform_indices = #map}, {transform_indices = #map}, {transform_indices = #map}]} {
    %mul3A = arith.constant 2 : i32
    %mul3A_0 = arith.muli %arg1, %mul3A : i32
    %add3A = arith.addi %mul3A_0, %arg0 : i32
    %jit3A = arith.constant 2 : i32
    %eq3A = arith.constant 0 : i32
    %eq3A_1 = arith.cmpi eq, %jit3A, %eq3A : i32
    %jit3A_2 = arith.constant 1 : i32
    %select_n3A = arith.select %eq3A_1, %jit3A_2, %jit3A : i32
    %rem3A = arith.remsi %add3A, %select_n3A : i32
    %ne3A = arith.constant 0 : i32
    %ne3A_3 = arith.cmpi ne, %rem3A, %ne3A : i32
    %lt3A = arith.constant 0 : i32
    %lt3A_4 = arith.cmpi slt, %rem3A, %lt3A : i32
    %lt3A_5 = arith.constant 0 : i32
    %lt3A_6 = arith.cmpi slt, %select_n3A, %lt3A_5 : i32
    %ne3A_7 = arith.xori %lt3A_4, %lt3A_6 : i1
    %and3A = arith.andi %ne3A_7, %ne3A_3 : i1
    %add3A_8 = arith.addi %rem3A, %select_n3A : i32
    %select_n3A_9 = arith.select %and3A, %add3A_8, %rem3A : i32
    %jit3A_10 = arith.constant 2 : i32
    %div3A = arith.divsi %add3A, %jit3A_10 : i32
    %sign3A = arith.constant 0 : i32
    %sign3A_11 = arith.cmpi sgt, %add3A, %sign3A : i32
    %sign3A_12 = arith.extui %sign3A_11 : i1 to i32
    %sign3A_13 = arith.constant 0 : i32
    %sign3A_14 = arith.cmpi slt, %add3A, %sign3A_13 : i32
    %sign3A_15 = arith.extui %sign3A_14 : i1 to i32
    %sign3A_16 = arith.subi %sign3A_12, %sign3A_15 : i32
    %sign3A_17 = arith.constant 0 : i32
    %sign3A_18 = arith.cmpi sgt, %jit3A_10, %sign3A_17 : i32
    %sign3A_19 = arith.extui %sign3A_18 : i1 to i32
    %sign3A_20 = arith.constant 0 : i32
    %sign3A_21 = arith.cmpi slt, %jit3A_10, %sign3A_20 : i32
    %sign3A_22 = arith.extui %sign3A_21 : i1 to i32
    %sign3A_23 = arith.subi %sign3A_19, %sign3A_22 : i32
    %ne3A_24 = arith.cmpi ne, %sign3A_16, %sign3A_23 : i32
    %rem3A_25 = arith.remsi %add3A, %jit3A_10 : i32
    %ne3A_26 = arith.constant 0 : i32
    %ne3A_27 = arith.cmpi ne, %rem3A_25, %ne3A_26 : i32
    %and3A_28 = arith.andi %ne3A_24, %ne3A_27 : i1
    %sub3A = arith.constant 1 : i32
    %sub3A_29 = arith.subi %div3A, %sub3A : i32
    %select_n3A_30 = arith.select %and3A_28, %sub3A_29, %div3A : i32
    %mul3A_31 = arith.constant 64 : i32
    %mul3A_32 = arith.muli %select_n3A_30, %mul3A_31 : i32
    %mul3A_33 = arith.constant 1024 : i32
    %mul3A_34 = arith.muli %select_n3A_9, %mul3A_33 : i32
    %add3A_35 = arith.addi %mul3A_34, %mul3A_32 : i32
    "tpu.region"() ({
      %run_scoped3A = tpu.sem_alloc : memref<!tpu.dma_semaphore, #tpu.memory_space<semaphore_mem>>
      %dma_start3A_156 = arith.constant 0 : i32
      %dma_start3A_157 = tpu.memref_slice %arg2[%add3A_35, %dma_start3A_156] : memref<2048x256xi32, #tpu.memory_space<hbm>> -> memref<64x256xi32, #tpu.memory_space<hbm>>
      %dma_start3A_158 = arith.constant 0 : i32
      %dma_start3A_159 = tpu.memref_slice %arg2[%add3A_35, %dma_start3A_158] : memref<2048x256xi32, #tpu.memory_space<hbm>> -> memref<64x256xi32, #tpu.memory_space<hbm>>
      tpu.enqueue_dma source(%dma_start3A_159 : memref<64x256xi32, #tpu.memory_space<hbm>>) target(%arg7 : memref<64x256xi32, #tpu.memory_space<vmem>>) target_semaphore(%run_scoped3A : memref<!tpu.dma_semaphore, #tpu.memory_space<semaphore_mem>>)
      %dma_wait3A_160 = arith.constant 0 : i32
      %dma_wait3A_161 = tpu.memref_slice %arg2[%add3A_35, %dma_wait3A_160] : memref<2048x256xi32, #tpu.memory_space<hbm>> -> memref<64x256xi32, #tpu.memory_space<hbm>>
      %dma_wait3A_162 = arith.constant 0 : i32
      %dma_wait3A_163 = tpu.memref_slice %arg2[%add3A_35, %dma_wait3A_162] : memref<2048x256xi32, #tpu.memory_space<hbm>> -> memref<64x256xi32, #tpu.memory_space<hbm>>
      tpu.wait_dma2 semaphore(%run_scoped3A : memref<!tpu.dma_semaphore, #tpu.memory_space<semaphore_mem>>) src(%dma_wait3A_163 : memref<64x256xi32, #tpu.memory_space<hbm>>) dst(%arg7 : memref<64x256xi32, #tpu.memory_space<vmem>>)
      tpu.yield
    }) : () -> ()
    %mul3A_36 = arith.constant 256 : i32
    %mul3A_37 = arith.muli %select_n3A_9, %mul3A_36 : i32
    "tpu.region"() ({
      %run_scoped3A = tpu.sem_alloc : memref<!tpu.dma_semaphore, #tpu.memory_space<semaphore_mem>>
      %dma_start3A_156 = arith.constant 0 : i32
      %dma_start3A_157 = tpu.memref_slice %arg4[%mul3A_37, %dma_start3A_156] : memref<512x128xf32, #tpu.memory_space<hbm>> -> memref<256x128xf32, #tpu.memory_space<hbm>>
      %dma_start3A_158 = arith.constant 0 : i32
      %dma_start3A_159 = tpu.memref_slice %arg4[%mul3A_37, %dma_start3A_158] : memref<512x128xf32, #tpu.memory_space<hbm>> -> memref<256x128xf32, #tpu.memory_space<hbm>>
      tpu.enqueue_dma source(%dma_start3A_159 : memref<256x128xf32, #tpu.memory_space<hbm>>) target(%arg9 : memref<256x128xf32, #tpu.memory_space<vmem>>) target_semaphore(%run_scoped3A : memref<!tpu.dma_semaphore, #tpu.memory_space<semaphore_mem>>)
      %dma_wait3A_160 = arith.constant 0 : i32
      %dma_wait3A_161 = tpu.memref_slice %arg4[%mul3A_37, %dma_wait3A_160] : memref<512x128xf32, #tpu.memory_space<hbm>> -> memref<256x128xf32, #tpu.memory_space<hbm>>
      %dma_wait3A_162 = arith.constant 0 : i32
      %dma_wait3A_163 = tpu.memref_slice %arg4[%mul3A_37, %dma_wait3A_162] : memref<512x128xf32, #tpu.memory_space<hbm>> -> memref<256x128xf32, #tpu.memory_space<hbm>>
      tpu.wait_dma2 semaphore(%run_scoped3A : memref<!tpu.dma_semaphore, #tpu.memory_space<semaphore_mem>>) src(%dma_wait3A_163 : memref<256x128xf32, #tpu.memory_space<hbm>>) dst(%arg9 : memref<256x128xf32, #tpu.memory_space<vmem>>)
      tpu.yield
    }) : () -> ()
    "tpu.region"() ({
      %run_scoped3A = tpu.sem_alloc : memref<!tpu.dma_semaphore, #tpu.memory_space<semaphore_mem>>
      tpu.enqueue_dma source(%arg5 : memref<5x128xf32, #tpu.memory_space<hbm>>) target(%arg10 : memref<5x128xf32, #tpu.memory_space<vmem>>) target_semaphore(%run_scoped3A : memref<!tpu.dma_semaphore, #tpu.memory_space<semaphore_mem>>)
      tpu.wait_dma2 semaphore(%run_scoped3A : memref<!tpu.dma_semaphore, #tpu.memory_space<semaphore_mem>>) src(%arg5 : memref<5x128xf32, #tpu.memory_space<hbm>>) dst(%arg10 : memref<5x128xf32, #tpu.memory_space<vmem>>)
      tpu.yield
    }) : () -> ()
    %mul3A_38 = arith.constant 2 : i32
    %mul3A_39 = arith.muli %mul3A_38, %select_n3A_9 : i32
    %add3A_40 = arith.constant 1 : i32
    %add3A_41 = arith.addi %add3A_40, %mul3A_39 : i32
    %mul3A_42 = arith.constant 2 : i32
    %mul3A_43 = arith.muli %mul3A_42, %select_n3A_9 : i32
    %add3A_44 = arith.constant 2 : i32
    %add3A_45 = arith.addi %add3A_44, %mul3A_43 : i32
    %get3A = arith.index_cast %add3A_41 : i32 to index
    %get3A_46 = arith.constant 0 : index
    %get3A_47 = tpu.vector_load %arg10[%get3A, %get3A_46] {strides = array<i32>} : memref<5x128xf32, #tpu.memory_space<vmem>>, vector<1x16xf32>,
    %get3A_48 = vector.shape_cast %get3A_47 : vector<1x16xf32> to vector<16xf32>
    %swap3A = arith.constant 0 : i32
    %swap3A_49 = arith.index_cast %swap3A : i32 to index
    %swap3A_50 = arith.constant 0 : index
    %swap3A_51 = tpu.vector_load %arg9[%swap3A_49, %swap3A_50] {strides = array<i32>} : memref<256x128xf32, #tpu.memory_space<vmem>>, vector<1x16xf32>,
    %swap3A_52 = vector.shape_cast %swap3A_51 : vector<1x16xf32> to vector<16xf32>
    %swap3A_53 = vector.shape_cast %get3A_48 : vector<16xf32> to vector<1x16xf32>
    tpu.vector_store %arg9[%swap3A_49, %swap3A_50], %swap3A_53 {add = true, strides = array<i32>} : memref<256x128xf32, #tpu.memory_space<vmem>>, vector<1x16xf32>,
    %get3A_54 = arith.index_cast %add3A_41 : i32 to index
    %get3A_55 = arith.constant 16 : index
    %get3A_56 = tpu.vector_load %arg10[%get3A_54, %get3A_55] {strides = array<i32>} : memref<5x128xf32, #tpu.memory_space<vmem>>, vector<1x16xf32>,
    %get3A_57 = vector.shape_cast %get3A_56 : vector<1x16xf32> to vector<16xf32>
    %swap3A_58 = arith.constant 0 : i32
    %swap3A_59 = arith.index_cast %swap3A_58 : i32 to index
    %swap3A_60 = arith.constant 16 : index
    %swap3A_61 = tpu.vector_load %arg9[%swap3A_59, %swap3A_60] {strides = array<i32>} : memref<256x128xf32, #tpu.memory_space<vmem>>, vector<1x16xf32>,
    %swap3A_62 = vector.shape_cast %swap3A_61 : vector<1x16xf32> to vector<16xf32>
    %swap3A_63 = vector.shape_cast %get3A_57 : vector<16xf32> to vector<1x16xf32>
    tpu.vector_store %arg9[%swap3A_59, %swap3A_60], %swap3A_63 {add = true, strides = array<i32>} : memref<256x128xf32, #tpu.memory_space<vmem>>, vector<1x16xf32>,
    %get3A_64 = arith.index_cast %add3A_41 : i32 to index
    %get3A_65 = arith.constant 32 : index
    %get3A_66 = tpu.vector_load %arg10[%get3A_64, %get3A_65] {strides = array<i32>} : memref<5x128xf32, #tpu.memory_space<vmem>>, vector<1x16xf32>,
    %get3A_67 = vector.shape_cast %get3A_66 : vector<1x16xf32> to vector<16xf32>
    %swap3A_68 = arith.constant 0 : i32
    %swap3A_69 = arith.index_cast %swap3A_68 : i32 to index
    %swap3A_70 = arith.constant 32 : index
    %swap3A_71 = tpu.vector_load %arg9[%swap3A_69, %swap3A_70] {strides = array<i32>} : memref<256x128xf32, #tpu.memory_space<vmem>>, vector<1x16xf32>,
    %swap3A_72 = vector.shape_cast %swap3A_71 : vector<1x16xf32> to vector<16xf32>
    %swap3A_73 = vector.shape_cast %get3A_67 : vector<16xf32> to vector<1x16xf32>
    tpu.vector_store %arg9[%swap3A_69, %swap3A_70], %swap3A_73 {add = true, strides = array<i32>} : memref<256x128xf32, #tpu.memory_space<vmem>>, vector<1x16xf32>,
    %get3A_74 = arith.index_cast %add3A_41 : i32 to index
    %get3A_75 = arith.constant 48 : index
    %get3A_76 = tpu.vector_load %arg10[%get3A_74, %get3A_75] {strides = array<i32>} : memref<5x128xf32, #tpu.memory_space<vmem>>, vector<1x16xf32>,
    %get3A_77 = vector.shape_cast %get3A_76 : vector<1x16xf32> to vector<16xf32>
    %swap3A_78 = arith.constant 0 : i32
    %swap3A_79 = arith.index_cast %swap3A_78 : i32 to index
    %swap3A_80 = arith.constant 48 : index
    %swap3A_81 = tpu.vector_load %arg9[%swap3A_79, %swap3A_80] {strides = array<i32>} : memref<256x128xf32, #tpu.memory_space<vmem>>, vector<1x16xf32>,
    %swap3A_82 = vector.shape_cast %swap3A_81 : vector<1x16xf32> to vector<16xf32>
    %swap3A_83 = vector.shape_cast %get3A_77 : vector<16xf32> to vector<1x16xf32>
    tpu.vector_store %arg9[%swap3A_79, %swap3A_80], %swap3A_83 {add = true, strides = array<i32>} : memref<256x128xf32, #tpu.memory_space<vmem>>, vector<1x16xf32>,
    %get3A_84 = arith.index_cast %add3A_41 : i32 to index
    %get3A_85 = arith.constant 64 : index
    %get3A_86 = tpu.vector_load %arg10[%get3A_84, %get3A_85] {strides = array<i32>} : memref<5x128xf32, #tpu.memory_space<vmem>>, vector<1x16xf32>,
    %get3A_87 = vector.shape_cast %get3A_86 : vector<1x16xf32> to vector<16xf32>
    %swap3A_88 = arith.constant 0 : i32
    %swap3A_89 = arith.index_cast %swap3A_88 : i32 to index
    %swap3A_90 = arith.constant 64 : index
    %swap3A_91 = tpu.vector_load %arg9[%swap3A_89, %swap3A_90] {strides = array<i32>} : memref<256x128xf32, #tpu.memory_space<vmem>>, vector<1x16xf32>,
    %swap3A_92 = vector.shape_cast %swap3A_91 : vector<1x16xf32> to vector<16xf32>
    %swap3A_93 = vector.shape_cast %get3A_87 : vector<16xf32> to vector<1x16xf32>
    tpu.vector_store %arg9[%swap3A_89, %swap3A_90], %swap3A_93 {add = true, strides = array<i32>} : memref<256x128xf32, #tpu.memory_space<vmem>>, vector<1x16xf32>,
    %get3A_94 = arith.index_cast %add3A_41 : i32 to index
    %get3A_95 = arith.constant 80 : index
    %get3A_96 = tpu.vector_load %arg10[%get3A_94, %get3A_95] {strides = array<i32>} : memref<5x128xf32, #tpu.memory_space<vmem>>, vector<1x16xf32>,
    %get3A_97 = vector.shape_cast %get3A_96 : vector<1x16xf32> to vector<16xf32>
    %swap3A_98 = arith.constant 0 : i32
    %swap3A_99 = arith.index_cast %swap3A_98 : i32 to index
    %swap3A_100 = arith.constant 80 : index
    %swap3A_101 = tpu.vector_load %arg9[%swap3A_99, %swap3A_100] {strides = array<i32>} : memref<256x128xf32, #tpu.memory_space<vmem>>, vector<1x16xf32>,
    %swap3A_102 = vector.shape_cast %swap3A_101 : vector<1x16xf32> to vector<16xf32>
    %swap3A_103 = vector.shape_cast %get3A_97 : vector<16xf32> to vector<1x16xf32>
    tpu.vector_store %arg9[%swap3A_99, %swap3A_100], %swap3A_103 {add = true, strides = array<i32>} : memref<256x128xf32, #tpu.memory_space<vmem>>, vector<1x16xf32>,
    %get3A_104 = arith.index_cast %add3A_41 : i32 to index
    %get3A_105 = arith.constant 96 : index
    %get3A_106 = tpu.vector_load %arg10[%get3A_104, %get3A_105] {strides = array<i32>} : memref<5x128xf32, #tpu.memory_space<vmem>>, vector<1x16xf32>,
    %get3A_107 = vector.shape_cast %get3A_106 : vector<1x16xf32> to vector<16xf32>
    %swap3A_108 = arith.constant 0 : i32
    %swap3A_109 = arith.index_cast %swap3A_108 : i32 to index
    %swap3A_110 = arith.constant 96 : index
    %swap3A_111 = tpu.vector_load %arg9[%swap3A_109, %swap3A_110] {strides = array<i32>} : memref<256x128xf32, #tpu.memory_space<vmem>>, vector<1x16xf32>,
    %swap3A_112 = vector.shape_cast %swap3A_111 : vector<1x16xf32> to vector<16xf32>
    %swap3A_113 = vector.shape_cast %get3A_107 : vector<16xf32> to vector<1x16xf32>
    tpu.vector_store %arg9[%swap3A_109, %swap3A_110], %swap3A_113 {add = true, strides = array<i32>} : memref<256x128xf32, #tpu.memory_space<vmem>>, vector<1x16xf32>,
    %get3A_114 = arith.index_cast %add3A_41 : i32 to index
    %get3A_115 = arith.constant 112 : index
    %get3A_116 = tpu.vector_load %arg10[%get3A_114, %get3A_115] {strides = array<i32>} : memref<5x128xf32, #tpu.memory_space<vmem>>, vector<1x16xf32>,
    %get3A_117 = vector.shape_cast %get3A_116 : vector<1x16xf32> to vector<16xf32>
    %swap3A_118 = arith.constant 0 : i32
    %swap3A_119 = arith.index_cast %swap3A_118 : i32 to index
    %swap3A_120 = arith.constant 112 : index
    %swap3A_121 = tpu.vector_load %arg9[%swap3A_119, %swap3A_120] {strides = array<i32>} : memref<256x128xf32, #tpu.memory_space<vmem>>, vector<1x16xf32>,
    %swap3A_122 = vector.shape_cast %swap3A_121 : vector<1x16xf32> to vector<16xf32>
    %swap3A_123 = vector.shape_cast %get3A_117 : vector<16xf32> to vector<1x16xf32>
    tpu.vector_store %arg9[%swap3A_119, %swap3A_120], %swap3A_123 {add = true, strides = array<i32>} : memref<256x128xf32, #tpu.memory_space<vmem>>, vector<1x16xf32>,
    %parallel_loop3A = arith.constant 1 : i32
    %parallel_loop3A_124 = arith.constant 256 : i32
    %parallel_loop3A_125 = arith.constant 1 : i32
    scf.for %parallel_loop3A_156 = %parallel_loop3A to %parallel_loop3A_124 step %parallel_loop3A_125  : i32 {
      %parallel_loop3A_157 = arith.index_cast %add3A_45 : i32 to index
      %parallel_loop3A_158 = arith.constant 0 : index
      %parallel_loop3A_159 = tpu.vector_load %arg10[%parallel_loop3A_157, %parallel_loop3A_158] {strides = array<i32>} : memref<5x128xf32, #tpu.memory_space<vmem>>, vector<1x16xf32>,
      %parallel_loop3A_160 = vector.shape_cast %parallel_loop3A_159 : vector<1x16xf32> to vector<16xf32>
      %parallel_loop3A_161 = arith.index_cast %parallel_loop3A_156 : i32 to index
      %parallel_loop3A_162 = arith.constant 0 : index
      %parallel_loop3A_163 = tpu.vector_load %arg9[%parallel_loop3A_161, %parallel_loop3A_162] {strides = array<i32>} : memref<256x128xf32, #tpu.memory_space<vmem>>, vector<1x16xf32>,
      %parallel_loop3A_164 = vector.shape_cast %parallel_loop3A_163 : vector<1x16xf32> to vector<16xf32>
      %parallel_loop3A_165 = vector.shape_cast %parallel_loop3A_160 : vector<16xf32> to vector<1x16xf32>
      tpu.vector_store %arg9[%parallel_loop3A_161, %parallel_loop3A_162], %parallel_loop3A_165 {add = true, strides = array<i32>} : memref<256x128xf32, #tpu.memory_space<vmem>>, vector<1x16xf32>,
      %parallel_loop3A_166 = arith.index_cast %add3A_45 : i32 to index
      %parallel_loop3A_167 = arith.constant 16 : index
      %parallel_loop3A_168 = tpu.vector_load %arg10[%parallel_loop3A_166, %parallel_loop3A_167] {strides = array<i32>} : memref<5x128xf32, #tpu.memory_space<vmem>>, vector<1x16xf32>,
      %parallel_loop3A_169 = vector.shape_cast %parallel_loop3A_168 : vector<1x16xf32> to vector<16xf32>
      %parallel_loop3A_170 = arith.index_cast %parallel_loop3A_156 : i32 to index
      %parallel_loop3A_171 = arith.constant 16 : index
      %parallel_loop3A_172 = tpu.vector_load %arg9[%parallel_loop3A_170, %parallel_loop3A_171] {strides = array<i32>} : memref<256x128xf32, #tpu.memory_space<vmem>>, vector<1x16xf32>,
      %parallel_loop3A_173 = vector.shape_cast %parallel_loop3A_172 : vector<1x16xf32> to vector<16xf32>
      %parallel_loop3A_174 = vector.shape_cast %parallel_loop3A_169 : vector<16xf32> to vector<1x16xf32>
      tpu.vector_store %arg9[%parallel_loop3A_170, %parallel_loop3A_171], %parallel_loop3A_174 {add = true, strides = array<i32>} : memref<256x128xf32, #tpu.memory_space<vmem>>, vector<1x16xf32>,
      %parallel_loop3A_175 = arith.index_cast %add3A_45 : i32 to index
      %parallel_loop3A_176 = arith.constant 32 : index
      %parallel_loop3A_177 = tpu.vector_load %arg10[%parallel_loop3A_175, %parallel_loop3A_176] {strides = array<i32>} : memref<5x128xf32, #tpu.memory_space<vmem>>, vector<1x16xf32>,
      %parallel_loop3A_178 = vector.shape_cast %parallel_loop3A_177 : vector<1x16xf32> to vector<16xf32>
      %parallel_loop3A_179 = arith.index_cast %parallel_loop3A_156 : i32 to index
      %parallel_loop3A_180 = arith.constant 32 : index
      %parallel_loop3A_181 = tpu.vector_load %arg9[%parallel_loop3A_179, %parallel_loop3A_180] {strides = array<i32>} : memref<256x128xf32, #tpu.memory_space<vmem>>, vector<1x16xf32>,
      %parallel_loop3A_182 = vector.shape_cast %parallel_loop3A_181 : vector<1x16xf32> to vector<16xf32>
      %parallel_loop3A_183 = vector.shape_cast %parallel_loop3A_178 : vector<16xf32> to vector<1x16xf32>
      tpu.vector_store %arg9[%parallel_loop3A_179, %parallel_loop3A_180], %parallel_loop3A_183 {add = true, strides = array<i32>} : memref<256x128xf32, #tpu.memory_space<vmem>>, vector<1x16xf32>,
      %parallel_loop3A_184 = arith.index_cast %add3A_45 : i32 to index
      %parallel_loop3A_185 = arith.constant 48 : index
      %parallel_loop3A_186 = tpu.vector_load %arg10[%parallel_loop3A_184, %parallel_loop3A_185] {strides = array<i32>} : memref<5x128xf32, #tpu.memory_space<vmem>>, vector<1x16xf32>,
      %parallel_loop3A_187 = vector.shape_cast %parallel_loop3A_186 : vector<1x16xf32> to vector<16xf32>
      %parallel_loop3A_188 = arith.index_cast %parallel_loop3A_156 : i32 to index
      %parallel_loop3A_189 = arith.constant 48 : index
      %parallel_loop3A_190 = tpu.vector_load %arg9[%parallel_loop3A_188, %parallel_loop3A_189] {strides = array<i32>} : memref<256x128xf32, #tpu.memory_space<vmem>>, vector<1x16xf32>,
      %parallel_loop3A_191 = vector.shape_cast %parallel_loop3A_190 : vector<1x16xf32> to vector<16xf32>
      %parallel_loop3A_192 = vector.shape_cast %parallel_loop3A_187 : vector<16xf32> to vector<1x16xf32>
      tpu.vector_store %arg9[%parallel_loop3A_188, %parallel_loop3A_189], %parallel_loop3A_192 {add = true, strides = array<i32>} : memref<256x128xf32, #tpu.memory_space<vmem>>, vector<1x16xf32>,
      %parallel_loop3A_193 = arith.index_cast %add3A_45 : i32 to index
      %parallel_loop3A_194 = arith.constant 64 : index
      %parallel_loop3A_195 = tpu.vector_load %arg10[%parallel_loop3A_193, %parallel_loop3A_194] {strides = array<i32>} : memref<5x128xf32, #tpu.memory_space<vmem>>, vector<1x16xf32>,
      %parallel_loop3A_196 = vector.shape_cast %parallel_loop3A_195 : vector<1x16xf32> to vector<16xf32>
      %parallel_loop3A_197 = arith.index_cast %parallel_loop3A_156 : i32 to index
      %parallel_loop3A_198 = arith.constant 64 : index
      %parallel_loop3A_199 = tpu.vector_load %arg9[%parallel_loop3A_197, %parallel_loop3A_198] {strides = array<i32>} : memref<256x128xf32, #tpu.memory_space<vmem>>, vector<1x16xf32>,
      %parallel_loop3A_200 = vector.shape_cast %parallel_loop3A_199 : vector<1x16xf32> to vector<16xf32>
      %parallel_loop3A_201 = vector.shape_cast %parallel_loop3A_196 : vector<16xf32> to vector<1x16xf32>
      tpu.vector_store %arg9[%parallel_loop3A_197, %parallel_loop3A_198], %parallel_loop3A_201 {add = true, strides = array<i32>} : memref<256x128xf32, #tpu.memory_space<vmem>>, vector<1x16xf32>,
      %parallel_loop3A_202 = arith.index_cast %add3A_45 : i32 to index
      %parallel_loop3A_203 = arith.constant 80 : index
      %parallel_loop3A_204 = tpu.vector_load %arg10[%parallel_loop3A_202, %parallel_loop3A_203] {strides = array<i32>} : memref<5x128xf32, #tpu.memory_space<vmem>>, vector<1x16xf32>,
      %parallel_loop3A_205 = vector.shape_cast %parallel_loop3A_204 : vector<1x16xf32> to vector<16xf32>
      %parallel_loop3A_206 = arith.index_cast %parallel_loop3A_156 : i32 to index
      %parallel_loop3A_207 = arith.constant 80 : index
      %parallel_loop3A_208 = tpu.vector_load %arg9[%parallel_loop3A_206, %parallel_loop3A_207] {strides = array<i32>} : memref<256x128xf32, #tpu.memory_space<vmem>>, vector<1x16xf32>,
      %parallel_loop3A_209 = vector.shape_cast %parallel_loop3A_208 : vector<1x16xf32> to vector<16xf32>
      %parallel_loop3A_210 = vector.shape_cast %parallel_loop3A_205 : vector<16xf32> to vector<1x16xf32>
      tpu.vector_store %arg9[%parallel_loop3A_206, %parallel_loop3A_207], %parallel_loop3A_210 {add = true, strides = array<i32>} : memref<256x128xf32, #tpu.memory_space<vmem>>, vector<1x16xf32>,
      %parallel_loop3A_211 = arith.index_cast %add3A_45 : i32 to index
      %parallel_loop3A_212 = arith.constant 96 : index
      %parallel_loop3A_213 = tpu.vector_load %arg10[%parallel_loop3A_211, %parallel_loop3A_212] {strides = array<i32>} : memref<5x128xf32, #tpu.memory_space<vmem>>, vector<1x16xf32>,
      %parallel_loop3A_214 = vector.shape_cast %parallel_loop3A_213 : vector<1x16xf32> to vector<16xf32>
      %parallel_loop3A_215 = arith.index_cast %parallel_loop3A_156 : i32 to index
      %parallel_loop3A_216 = arith.constant 96 : index
      %parallel_loop3A_217 = tpu.vector_load %arg9[%parallel_loop3A_215, %parallel_loop3A_216] {strides = array<i32>} : memref<256x128xf32, #tpu.memory_space<vmem>>, vector<1x16xf32>,
      %parallel_loop3A_218 = vector.shape_cast %parallel_loop3A_217 : vector<1x16xf32> to vector<16xf32>
      %parallel_loop3A_219 = vector.shape_cast %parallel_loop3A_214 : vector<16xf32> to vector<1x16xf32>
      tpu.vector_store %arg9[%parallel_loop3A_215, %parallel_loop3A_216], %parallel_loop3A_219 {add = true, strides = array<i32>} : memref<256x128xf32, #tpu.memory_space<vmem>>, vector<1x16xf32>,
      %parallel_loop3A_220 = arith.index_cast %add3A_45 : i32 to index
      %parallel_loop3A_221 = arith.constant 112 : index
      %parallel_loop3A_222 = tpu.vector_load %arg10[%parallel_loop3A_220, %parallel_loop3A_221] {strides = array<i32>} : memref<5x128xf32, #tpu.memory_space<vmem>>, vector<1x16xf32>,
      %parallel_loop3A_223 = vector.shape_cast %parallel_loop3A_222 : vector<1x16xf32> to vector<16xf32>
      %parallel_loop3A_224 = arith.index_cast %parallel_loop3A_156 : i32 to index
      %parallel_loop3A_225 = arith.constant 112 : index
      %parallel_loop3A_226 = tpu.vector_load %arg9[%parallel_loop3A_224, %parallel_loop3A_225] {strides = array<i32>} : memref<256x128xf32, #tpu.memory_space<vmem>>, vector<1x16xf32>,
      %parallel_loop3A_227 = vector.shape_cast %parallel_loop3A_226 : vector<1x16xf32> to vector<16xf32>
      %parallel_loop3A_228 = vector.shape_cast %parallel_loop3A_223 : vector<16xf32> to vector<1x16xf32>
      tpu.vector_store %arg9[%parallel_loop3A_224, %parallel_loop3A_225], %parallel_loop3A_228 {add = true, strides = array<i32>} : memref<256x128xf32, #tpu.memory_space<vmem>>, vector<1x16xf32>,
    } {sc.loop_unroll_factor = 4 : i64, sc.parallel_access}
    %dma_start3A = arith.constant 0 : i32
    %dma_start3A_126 = arith.constant 0 : i32
    %dma_start3A_127 = arith.constant 0 : i32
    %dma_start3A_128 = arith.constant 0 : i32
    %dma_start3A_129 = tpu.memref_slice %arg8[%dma_start3A_126, %dma_start3A_127, %dma_start3A_128] : memref<2x128x128xf32, #tpu.memory_space<vmem>> -> memref<1x128x128xf32, #tpu.memory_space<vmem>>
    %dma_start3A_130 = tpu.memref_squeeze %dma_start3A_129 : memref<1x128x128xf32, #tpu.memory_space<vmem>> -> memref<128x128xf32, #tpu.memory_space<vmem>>
    %dma_start3A_131 = arith.constant 0 : i32
    %dma_start3A_132 = tpu.memref_slice %arg7[%dma_start3A, %dma_start3A_131] : memref<64x256xi32, #tpu.memory_space<vmem>> -> memref<1x128xi32, #tpu.memory_space<vmem>>
    %dma_start3A_133 = tpu.memref_squeeze %dma_start3A_132 : memref<1x128xi32, #tpu.memory_space<vmem>> -> memref<128xi32, #tpu.memory_space<vmem>>
    %dma_start3A_134 = arith.constant 0 : i32
    %dma_start3A_135 = arith.constant 0 : i32
    %dma_start3A_136 = tpu.memref_slice %arg3[%dma_start3A_134, %dma_start3A_135] : memref<1000000x128xf32, #tpu.memory_space<hbm>> -> memref<1000000x128xf32, #tpu.memory_space<hbm>>
    tpu.enqueue_indirect_dma source(%dma_start3A_136 : memref<1000000x128xf32, #tpu.memory_space<hbm>>) target(%dma_start3A_130 : memref<128x128xf32, #tpu.memory_space<vmem>>) offsets(%dma_start3A_133 : memref<128xi32, #tpu.memory_space<vmem>>) semaphore(%arg11 : memref<!tpu.dma_semaphore, #tpu.memory_space<semaphore_mem>>)
    %scan3A = arith.constant 0 : i32
    %scan3A_137 = arith.constant 0 : i32
    %scan3A_138 = arith.constant 64 : i32
    %scan3A_139 = arith.addi %scan3A_137, %scan3A_138 : i32
    %scan3A_140 = arith.constant 1 : i32
    scf.for %scan3A_156 = %scan3A_137 to %scan3A_139 step %scan3A_140  : i32 {
      %mul3A_157 = arith.constant 2 : i32
      %mul3A_158 = arith.muli %scan3A_156, %mul3A_157 : i32
      %add3A_159 = arith.constant 0 : i32
      %add3A_160 = arith.addi %mul3A_158, %add3A_159 : i32
      %dma_wait3A_161 = arith.constant 0 : i32
      %dma_wait3A_162 = arith.constant 0 : i32
      %dma_wait3A_163 = arith.constant 0 : i32
      %dma_wait3A_164 = arith.constant 0 : i32
      %dma_wait3A_165 = tpu.memref_slice %arg8[%dma_wait3A_162, %dma_wait3A_163, %dma_wait3A_164] : memref<2x128x128xf32, #tpu.memory_space<vmem>> -> memref<1x128x128xf32, #tpu.memory_space<vmem>>
      %dma_wait3A_166 = tpu.memref_squeeze %dma_wait3A_165 : memref<1x128x128xf32, #tpu.memory_space<vmem>> -> memref<128x128xf32, #tpu.memory_space<vmem>>
      %dma_wait3A_167 = arith.constant 0 : i32
      %dma_wait3A_168 = tpu.memref_slice %arg7[%dma_wait3A_161, %dma_wait3A_167] : memref<64x256xi32, #tpu.memory_space<vmem>> -> memref<1x128xi32, #tpu.memory_space<vmem>>
      %dma_wait3A_169 = tpu.memref_squeeze %dma_wait3A_168 : memref<1x128xi32, #tpu.memory_space<vmem>> -> memref<128xi32, #tpu.memory_space<vmem>>
      %dma_wait3A_170 = arith.constant 0 : i32
      %dma_wait3A_171 = arith.constant 0 : i32
      %dma_wait3A_172 = tpu.memref_slice %arg3[%dma_wait3A_170, %dma_wait3A_171] : memref<1000000x128xf32, #tpu.memory_space<hbm>> -> memref<1000000x128xf32, #tpu.memory_space<hbm>>
      tpu.wait_indirect_dma semaphore(%arg11 : memref<!tpu.dma_semaphore, #tpu.memory_space<semaphore_mem>>) src(%dma_wait3A_172 : memref<1000000x128xf32, #tpu.memory_space<hbm>>) dst(%dma_wait3A_166 : memref<128x128xf32, #tpu.memory_space<vmem>>)
      %ge3A = arith.constant 1 : i32
      %ge3A_173 = arith.cmpi sge, %add3A_160, %ge3A : i32
      %convert_element_type3A = arith.extui %ge3A_173 : i1 to i32
      %cond3A = arith.constant 0 : i32
      %cond3A_174 = arith.cmpi ne, %convert_element_type3A, %cond3A : i32
      scf.if %cond3A_174 {
        %dma_wait3A_310 = arith.constant 1 : i32
        %dma_wait3A_311 = arith.constant 0 : i32
        %dma_wait3A_312 = arith.constant 0 : i32
        %dma_wait3A_313 = tpu.memref_slice %arg8[%dma_wait3A_310, %dma_wait3A_311, %dma_wait3A_312] : memref<2x128x128xf32, #tpu.memory_space<vmem>> -> memref<1x128x128xf32, #tpu.memory_space<vmem>>
        %dma_wait3A_314 = tpu.memref_squeeze %dma_wait3A_313 : memref<1x128x128xf32, #tpu.memory_space<vmem>> -> memref<128x128xf32, #tpu.memory_space<vmem>>
        %dma_wait3A_315 = arith.constant 0 : i32
        %dma_wait3A_316 = arith.constant 0 : i32
        %dma_wait3A_317 = tpu.memref_slice %arg6[%dma_wait3A_315, %dma_wait3A_316] : memref<524288x128xf32, #tpu.memory_space<hbm>> -> memref<128x128xf32, #tpu.memory_space<hbm>>
        %dma_wait3A_318 = arith.constant 0 : i32
        %dma_wait3A_319 = arith.constant 0 : i32
        %dma_wait3A_320 = tpu.memref_slice %arg6[%dma_wait3A_318, %dma_wait3A_319] : memref<524288x128xf32, #tpu.memory_space<hbm>> -> memref<128x128xf32, #tpu.memory_space<hbm>>
        %dma_wait3A_321 = arith.constant 0 : i32
        %dma_wait3A_322 = arith.constant 0 : i32
        %dma_wait3A_323 = tpu.memref_slice %arg8[%dma_wait3A_310, %dma_wait3A_321, %dma_wait3A_322] : memref<2x128x128xf32, #tpu.memory_space<vmem>> -> memref<1x128x128xf32, #tpu.memory_space<vmem>>
        %dma_wait3A_324 = tpu.memref_squeeze %dma_wait3A_323 : memref<1x128x128xf32, #tpu.memory_space<vmem>> -> memref<128x128xf32, #tpu.memory_space<vmem>>
        tpu.wait_dma2 semaphore(%arg14 : memref<!tpu.dma_semaphore, #tpu.memory_space<semaphore_mem>>) src(%dma_wait3A_324 : memref<128x128xf32, #tpu.memory_space<vmem>>) dst(%dma_wait3A_320 : memref<128x128xf32, #tpu.memory_space<hbm>>)
      } else {
      }
      %add3A_175 = arith.constant 2 : i32
      %add3A_176 = arith.addi %add3A_160, %add3A_175 : i32
      %sub3A_177 = arith.constant 1 : i32
      %sub3A_178 = arith.subi %add3A_176, %sub3A_177 : i32
      %lt3A_179 = arith.constant 128 : i32
      %lt3A_180 = arith.cmpi slt, %sub3A_178, %lt3A_179 : i32
      %convert_element_type3A_181 = arith.extui %lt3A_180 : i1 to i32
      %cond3A_182 = arith.constant 0 : i32
      %cond3A_183 = arith.cmpi ne, %convert_element_type3A_181, %cond3A_182 : i32
      scf.if %cond3A_183 {
        %add3A_310 = arith.constant 2 : i32
        %add3A_311 = arith.addi %add3A_160, %add3A_310 : i32
        %sub3A_312 = arith.constant 1 : i32
        %sub3A_313 = arith.subi %add3A_311, %sub3A_312 : i32
        %jit3A_314 = arith.constant 2 : i32
        %div3A_315 = arith.divsi %sub3A_313, %jit3A_314 : i32
        %sign3A_316 = arith.constant 0 : i32
        %sign3A_317 = arith.cmpi sgt, %sub3A_313, %sign3A_316 : i32
        %sign3A_318 = arith.extui %sign3A_317 : i1 to i32
        %sign3A_319 = arith.constant 0 : i32
        %sign3A_320 = arith.cmpi slt, %sub3A_313, %sign3A_319 : i32
        %sign3A_321 = arith.extui %sign3A_320 : i1 to i32
        %sign3A_322 = arith.subi %sign3A_318, %sign3A_321 : i32
        %sign3A_323 = arith.constant 0 : i32
        %sign3A_324 = arith.cmpi sgt, %jit3A_314, %sign3A_323 : i32
        %sign3A_325 = arith.extui %sign3A_324 : i1 to i32
        %sign3A_326 = arith.constant 0 : i32
        %sign3A_327 = arith.cmpi slt, %jit3A_314, %sign3A_326 : i32
        %sign3A_328 = arith.extui %sign3A_327 : i1 to i32
        %sign3A_329 = arith.subi %sign3A_325, %sign3A_328 : i32
        %ne3A_330 = arith.cmpi ne, %sign3A_322, %sign3A_329 : i32
        %rem3A_331 = arith.remsi %sub3A_313, %jit3A_314 : i32
        %ne3A_332 = arith.constant 0 : i32
        %ne3A_333 = arith.cmpi ne, %rem3A_331, %ne3A_332 : i32
        %and3A_334 = arith.andi %ne3A_330, %ne3A_333 : i1
        %sub3A_335 = arith.constant 1 : i32
        %sub3A_336 = arith.subi %div3A_315, %sub3A_335 : i32
        %select_n3A_337 = arith.select %and3A_334, %sub3A_336, %div3A_315 : i32
        %jit3A_338 = arith.constant 2 : i32
        %eq3A_339 = arith.constant 0 : i32
        %eq3A_340 = arith.cmpi eq, %jit3A_338, %eq3A_339 : i32
        %jit3A_341 = arith.constant 1 : i32
        %select_n3A_342 = arith.select %eq3A_340, %jit3A_341, %jit3A_338 : i32
        %rem3A_343 = arith.remsi %sub3A_313, %select_n3A_342 : i32
        %ne3A_344 = arith.constant 0 : i32
        %ne3A_345 = arith.cmpi ne, %rem3A_343, %ne3A_344 : i32
        %lt3A_346 = arith.constant 0 : i32
        %lt3A_347 = arith.cmpi slt, %rem3A_343, %lt3A_346 : i32
        %lt3A_348 = arith.constant 0 : i32
        %lt3A_349 = arith.cmpi slt, %select_n3A_342, %lt3A_348 : i32
        %ne3A_350 = arith.xori %lt3A_347, %lt3A_349 : i1
        %and3A_351 = arith.andi %ne3A_350, %ne3A_345 : i1
        %add3A_352 = arith.addi %rem3A_343, %select_n3A_342 : i32
        %select_n3A_353 = arith.select %and3A_351, %add3A_352, %rem3A_343 : i32
        %mul3A_354 = arith.constant 128 : i32
        %mul3A_355 = arith.muli %select_n3A_353, %mul3A_354 : i32
        %dma_start3A_356 = arith.constant 1 : i32
        %dma_start3A_357 = arith.constant 0 : i32
        %dma_start3A_358 = arith.constant 0 : i32
        %dma_start3A_359 = tpu.memref_slice %arg8[%dma_start3A_356, %dma_start3A_357, %dma_start3A_358] : memref<2x128x128xf32, #tpu.memory_space<vmem>> -> memref<1x128x128xf32, #tpu.memory_space<vmem>>
        %dma_start3A_360 = tpu.memref_squeeze %dma_start3A_359 : memref<1x128x128xf32, #tpu.memory_space<vmem>> -> memref<128x128xf32, #tpu.memory_space<vmem>>
        %dma_start3A_361 = tpu.memref_slice %arg7[%select_n3A_337, %mul3A_355] : memref<64x256xi32, #tpu.memory_space<vmem>> -> memref<1x128xi32, #tpu.memory_space<vmem>>
        %dma_start3A_362 = tpu.memref_squeeze %dma_start3A_361 : memref<1x128xi32, #tpu.memory_space<vmem>> -> memref<128xi32, #tpu.memory_space<vmem>>
        %dma_start3A_363 = arith.constant 0 : i32
        %dma_start3A_364 = arith.constant 0 : i32
        %dma_start3A_365 = tpu.memref_slice %arg3[%dma_start3A_363, %dma_start3A_364] : memref<1000000x128xf32, #tpu.memory_space<hbm>> -> memref<1000000x128xf32, #tpu.memory_space<hbm>>
        tpu.enqueue_indirect_dma source(%dma_start3A_365 : memref<1000000x128xf32, #tpu.memory_space<hbm>>) target(%dma_start3A_360 : memref<128x128xf32, #tpu.memory_space<vmem>>) offsets(%dma_start3A_362 : memref<128xi32, #tpu.memory_space<vmem>>) semaphore(%arg12 : memref<!tpu.dma_semaphore, #tpu.memory_space<semaphore_mem>>)
      } else {
      }
      %parallel_loop3A_184 = arith.constant 0 : i32
      %parallel_loop3A_185 = arith.constant 128 : i32
      %parallel_loop3A_186 = arith.constant 1 : i32
      scf.for %parallel_loop3A_310 = %parallel_loop3A_184 to %parallel_loop3A_185 step %parallel_loop3A_186  : i32 {
        %parallel_loop3A_311 = arith.constant 0 : i32
        %parallel_loop3A_312 = arith.addi %parallel_loop3A_311, %parallel_loop3A_310 : i32
        %parallel_loop3A_313 = arith.index_cast %parallel_loop3A_312 : i32 to index
        %parallel_loop3A_314 = arith.constant 0 : index
        %parallel_loop3A_315 = tpu.vector_load %arg9[%parallel_loop3A_313, %parallel_loop3A_314] {strides = array<i32>} : memref<256x128xf32, #tpu.memory_space<vmem>>, vector<1x16xf32>,
        %parallel_loop3A_316 = vector.shape_cast %parallel_loop3A_315 : vector<1x16xf32> to vector<16xf32>
        %parallel_loop3A_317 = arith.constant 0 : i32
        %parallel_loop3A_318 = arith.index_cast %parallel_loop3A_317 : i32 to index
        %parallel_loop3A_319 = arith.index_cast %parallel_loop3A_310 : i32 to index
        %parallel_loop3A_320 = arith.constant 0 : index
        %parallel_loop3A_321 = tpu.vector_load %arg8[%parallel_loop3A_318, %parallel_loop3A_319, %parallel_loop3A_320] {strides = array<i32>} : memref<2x128x128xf32, #tpu.memory_space<vmem>>, vector<1x1x16xf32>,
        %parallel_loop3A_322 = vector.shape_cast %parallel_loop3A_321 : vector<1x1x16xf32> to vector<16xf32>
        %parallel_loop3A_323 = vector.shape_cast %parallel_loop3A_316 : vector<16xf32> to vector<1x1x16xf32>
        tpu.vector_store %arg8[%parallel_loop3A_318, %parallel_loop3A_319, %parallel_loop3A_320], %parallel_loop3A_323 {add = true, strides = array<i32>} : memref<2x128x128xf32, #tpu.memory_space<vmem>>, vector<1x1x16xf32>,
        %parallel_loop3A_324 = arith.constant 0 : i32
        %parallel_loop3A_325 = arith.addi %parallel_loop3A_324, %parallel_loop3A_310 : i32
        %parallel_loop3A_326 = arith.index_cast %parallel_loop3A_325 : i32 to index
        %parallel_loop3A_327 = arith.constant 16 : index
        %parallel_loop3A_328 = tpu.vector_load %arg9[%parallel_loop3A_326, %parallel_loop3A_327] {strides = array<i32>} : memref<256x128xf32, #tpu.memory_space<vmem>>, vector<1x16xf32>,
        %parallel_loop3A_329 = vector.shape_cast %parallel_loop3A_328 : vector<1x16xf32> to vector<16xf32>
        %parallel_loop3A_330 = arith.constant 0 : i32
        %parallel_loop3A_331 = arith.index_cast %parallel_loop3A_330 : i32 to index
        %parallel_loop3A_332 = arith.index_cast %parallel_loop3A_310 : i32 to index
        %parallel_loop3A_333 = arith.constant 16 : index
        %parallel_loop3A_334 = tpu.vector_load %arg8[%parallel_loop3A_331, %parallel_loop3A_332, %parallel_loop3A_333] {strides = array<i32>} : memref<2x128x128xf32, #tpu.memory_space<vmem>>, vector<1x1x16xf32>,
        %parallel_loop3A_335 = vector.shape_cast %parallel_loop3A_334 : vector<1x1x16xf32> to vector<16xf32>
        %parallel_loop3A_336 = vector.shape_cast %parallel_loop3A_329 : vector<16xf32> to vector<1x1x16xf32>
        tpu.vector_store %arg8[%parallel_loop3A_331, %parallel_loop3A_332, %parallel_loop3A_333], %parallel_loop3A_336 {add = true, strides = array<i32>} : memref<2x128x128xf32, #tpu.memory_space<vmem>>, vector<1x1x16xf32>,
        %parallel_loop3A_337 = arith.constant 0 : i32
        %parallel_loop3A_338 = arith.addi %parallel_loop3A_337, %parallel_loop3A_310 : i32
        %parallel_loop3A_339 = arith.index_cast %parallel_loop3A_338 : i32 to index
        %parallel_loop3A_340 = arith.constant 32 : index
        %parallel_loop3A_341 = tpu.vector_load %arg9[%parallel_loop3A_339, %parallel_loop3A_340] {strides = array<i32>} : memref<256x128xf32, #tpu.memory_space<vmem>>, vector<1x16xf32>,
        %parallel_loop3A_342 = vector.shape_cast %parallel_loop3A_341 : vector<1x16xf32> to vector<16xf32>
        %parallel_loop3A_343 = arith.constant 0 : i32
        %parallel_loop3A_344 = arith.index_cast %parallel_loop3A_343 : i32 to index
        %parallel_loop3A_345 = arith.index_cast %parallel_loop3A_310 : i32 to index
        %parallel_loop3A_346 = arith.constant 32 : index
        %parallel_loop3A_347 = tpu.vector_load %arg8[%parallel_loop3A_344, %parallel_loop3A_345, %parallel_loop3A_346] {strides = array<i32>} : memref<2x128x128xf32, #tpu.memory_space<vmem>>, vector<1x1x16xf32>,
        %parallel_loop3A_348 = vector.shape_cast %parallel_loop3A_347 : vector<1x1x16xf32> to vector<16xf32>
        %parallel_loop3A_349 = vector.shape_cast %parallel_loop3A_342 : vector<16xf32> to vector<1x1x16xf32>
        tpu.vector_store %arg8[%parallel_loop3A_344, %parallel_loop3A_345, %parallel_loop3A_346], %parallel_loop3A_349 {add = true, strides = array<i32>} : memref<2x128x128xf32, #tpu.memory_space<vmem>>, vector<1x1x16xf32>,
        %parallel_loop3A_350 = arith.constant 0 : i32
        %parallel_loop3A_351 = arith.addi %parallel_loop3A_350, %parallel_loop3A_310 : i32
        %parallel_loop3A_352 = arith.index_cast %parallel_loop3A_351 : i32 to index
        %parallel_loop3A_353 = arith.constant 48 : index
        %parallel_loop3A_354 = tpu.vector_load %arg9[%parallel_loop3A_352, %parallel_loop3A_353] {strides = array<i32>} : memref<256x128xf32, #tpu.memory_space<vmem>>, vector<1x16xf32>,
        %parallel_loop3A_355 = vector.shape_cast %parallel_loop3A_354 : vector<1x16xf32> to vector<16xf32>
        %parallel_loop3A_356 = arith.constant 0 : i32
        %parallel_loop3A_357 = arith.index_cast %parallel_loop3A_356 : i32 to index
        %parallel_loop3A_358 = arith.index_cast %parallel_loop3A_310 : i32 to index
        %parallel_loop3A_359 = arith.constant 48 : index
        %parallel_loop3A_360 = tpu.vector_load %arg8[%parallel_loop3A_357, %parallel_loop3A_358, %parallel_loop3A_359] {strides = array<i32>} : memref<2x128x128xf32, #tpu.memory_space<vmem>>, vector<1x1x16xf32>,
        %parallel_loop3A_361 = vector.shape_cast %parallel_loop3A_360 : vector<1x1x16xf32> to vector<16xf32>
        %parallel_loop3A_362 = vector.shape_cast %parallel_loop3A_355 : vector<16xf32> to vector<1x1x16xf32>
        tpu.vector_store %arg8[%parallel_loop3A_357, %parallel_loop3A_358, %parallel_loop3A_359], %parallel_loop3A_362 {add = true, strides = array<i32>} : memref<2x128x128xf32, #tpu.memory_space<vmem>>, vector<1x1x16xf32>,
        %parallel_loop3A_363 = arith.constant 0 : i32
        %parallel_loop3A_364 = arith.addi %parallel_loop3A_363, %parallel_loop3A_310 : i32
        %parallel_loop3A_365 = arith.index_cast %parallel_loop3A_364 : i32 to index
        %parallel_loop3A_366 = arith.constant 64 : index
        %parallel_loop3A_367 = tpu.vector_load %arg9[%parallel_loop3A_365, %parallel_loop3A_366] {strides = array<i32>} : memref<256x128xf32, #tpu.memory_space<vmem>>, vector<1x16xf32>,
        %parallel_loop3A_368 = vector.shape_cast %parallel_loop3A_367 : vector<1x16xf32> to vector<16xf32>
        %parallel_loop3A_369 = arith.constant 0 : i32
        %parallel_loop3A_370 = arith.index_cast %parallel_loop3A_369 : i32 to index
        %parallel_loop3A_371 = arith.index_cast %parallel_loop3A_310 : i32 to index
        %parallel_loop3A_372 = arith.constant 64 : index
        %parallel_loop3A_373 = tpu.vector_load %arg8[%parallel_loop3A_370, %parallel_loop3A_371, %parallel_loop3A_372] {strides = array<i32>} : memref<2x128x128xf32, #tpu.memory_space<vmem>>, vector<1x1x16xf32>,
        %parallel_loop3A_374 = vector.shape_cast %parallel_loop3A_373 : vector<1x1x16xf32> to vector<16xf32>
        %parallel_loop3A_375 = vector.shape_cast %parallel_loop3A_368 : vector<16xf32> to vector<1x1x16xf32>
        tpu.vector_store %arg8[%parallel_loop3A_370, %parallel_loop3A_371, %parallel_loop3A_372], %parallel_loop3A_375 {add = true, strides = array<i32>} : memref<2x128x128xf32, #tpu.memory_space<vmem>>, vector<1x1x16xf32>,
        %parallel_loop3A_376 = arith.constant 0 : i32
        %parallel_loop3A_377 = arith.addi %parallel_loop3A_376, %parallel_loop3A_310 : i32
        %parallel_loop3A_378 = arith.index_cast %parallel_loop3A_377 : i32 to index
        %parallel_loop3A_379 = arith.constant 80 : index
        %parallel_loop3A_380 = tpu.vector_load %arg9[%parallel_loop3A_378, %parallel_loop3A_379] {strides = array<i32>} : memref<256x128xf32, #tpu.memory_space<vmem>>, vector<1x16xf32>,
        %parallel_loop3A_381 = vector.shape_cast %parallel_loop3A_380 : vector<1x16xf32> to vector<16xf32>
        %parallel_loop3A_382 = arith.constant 0 : i32
        %parallel_loop3A_383 = arith.index_cast %parallel_loop3A_382 : i32 to index
        %parallel_loop3A_384 = arith.index_cast %parallel_loop3A_310 : i32 to index
        %parallel_loop3A_385 = arith.constant 80 : index
        %parallel_loop3A_386 = tpu.vector_load %arg8[%parallel_loop3A_383, %parallel_loop3A_384, %parallel_loop3A_385] {strides = array<i32>} : memref<2x128x128xf32, #tpu.memory_space<vmem>>, vector<1x1x16xf32>,
        %parallel_loop3A_387 = vector.shape_cast %parallel_loop3A_386 : vector<1x1x16xf32> to vector<16xf32>
        %parallel_loop3A_388 = vector.shape_cast %parallel_loop3A_381 : vector<16xf32> to vector<1x1x16xf32>
        tpu.vector_store %arg8[%parallel_loop3A_383, %parallel_loop3A_384, %parallel_loop3A_385], %parallel_loop3A_388 {add = true, strides = array<i32>} : memref<2x128x128xf32, #tpu.memory_space<vmem>>, vector<1x1x16xf32>,
        %parallel_loop3A_389 = arith.constant 0 : i32
        %parallel_loop3A_390 = arith.addi %parallel_loop3A_389, %parallel_loop3A_310 : i32
        %parallel_loop3A_391 = arith.index_cast %parallel_loop3A_390 : i32 to index
        %parallel_loop3A_392 = arith.constant 96 : index
        %parallel_loop3A_393 = tpu.vector_load %arg9[%parallel_loop3A_391, %parallel_loop3A_392] {strides = array<i32>} : memref<256x128xf32, #tpu.memory_space<vmem>>, vector<1x16xf32>,
        %parallel_loop3A_394 = vector.shape_cast %parallel_loop3A_393 : vector<1x16xf32> to vector<16xf32>
        %parallel_loop3A_395 = arith.constant 0 : i32
        %parallel_loop3A_396 = arith.index_cast %parallel_loop3A_395 : i32 to index
        %parallel_loop3A_397 = arith.index_cast %parallel_loop3A_310 : i32 to index
        %parallel_loop3A_398 = arith.constant 96 : index
        %parallel_loop3A_399 = tpu.vector_load %arg8[%parallel_loop3A_396, %parallel_loop3A_397, %parallel_loop3A_398] {strides = array<i32>} : memref<2x128x128xf32, #tpu.memory_space<vmem>>, vector<1x1x16xf32>,
        %parallel_loop3A_400 = vector.shape_cast %parallel_loop3A_399 : vector<1x1x16xf32> to vector<16xf32>
        %parallel_loop3A_401 = vector.shape_cast %parallel_loop3A_394 : vector<16xf32> to vector<1x1x16xf32>
        tpu.vector_store %arg8[%parallel_loop3A_396, %parallel_loop3A_397, %parallel_loop3A_398], %parallel_loop3A_401 {add = true, strides = array<i32>} : memref<2x128x128xf32, #tpu.memory_space<vmem>>, vector<1x1x16xf32>,
        %parallel_loop3A_402 = arith.constant 0 : i32
        %parallel_loop3A_403 = arith.addi %parallel_loop3A_402, %parallel_loop3A_310 : i32
        %parallel_loop3A_404 = arith.index_cast %parallel_loop3A_403 : i32 to index
        %parallel_loop3A_405 = arith.constant 112 : index
        %parallel_loop3A_406 = tpu.vector_load %arg9[%parallel_loop3A_404, %parallel_loop3A_405] {strides = array<i32>} : memref<256x128xf32, #tpu.memory_space<vmem>>, vector<1x16xf32>,
        %parallel_loop3A_407 = vector.shape_cast %parallel_loop3A_406 : vector<1x16xf32> to vector<16xf32>
        %parallel_loop3A_408 = arith.constant 0 : i32
        %parallel_loop3A_409 = arith.index_cast %parallel_loop3A_408 : i32 to index
        %parallel_loop3A_410 = arith.index_cast %parallel_loop3A_310 : i32 to index
        %parallel_loop3A_411 = arith.constant 112 : index
        %parallel_loop3A_412 = tpu.vector_load %arg8[%parallel_loop3A_409, %parallel_loop3A_410, %parallel_loop3A_411] {strides = array<i32>} : memref<2x128x128xf32, #tpu.memory_space<vmem>>, vector<1x1x16xf32>,
        %parallel_loop3A_413 = vector.shape_cast %parallel_loop3A_412 : vector<1x1x16xf32> to vector<16xf32>
        %parallel_loop3A_414 = vector.shape_cast %parallel_loop3A_407 : vector<16xf32> to vector<1x1x16xf32>
        tpu.vector_store %arg8[%parallel_loop3A_409, %parallel_loop3A_410, %parallel_loop3A_411], %parallel_loop3A_414 {add = true, strides = array<i32>} : memref<2x128x128xf32, #tpu.memory_space<vmem>>, vector<1x1x16xf32>,
      } {sc.loop_unroll_factor = 4 : i64, sc.parallel_access}
      %jit3A_187 = arith.constant 2 : i32
      %div3A_188 = arith.divsi %add3A_160, %jit3A_187 : i32
      %sign3A_189 = arith.constant 0 : i32
      %sign3A_190 = arith.cmpi sgt, %add3A_160, %sign3A_189 : i32
      %sign3A_191 = arith.extui %sign3A_190 : i1 to i32
      %sign3A_192 = arith.constant 0 : i32
      %sign3A_193 = arith.cmpi slt, %add3A_160, %sign3A_192 : i32
      %sign3A_194 = arith.extui %sign3A_193 : i1 to i32
      %sign3A_195 = arith.subi %sign3A_191, %sign3A_194 : i32
      %sign3A_196 = arith.constant 0 : i32
      %sign3A_197 = arith.cmpi sgt, %jit3A_187, %sign3A_196 : i32
      %sign3A_198 = arith.extui %sign3A_197 : i1 to i32
      %sign3A_199 = arith.constant 0 : i32
      %sign3A_200 = arith.cmpi slt, %jit3A_187, %sign3A_199 : i32
      %sign3A_201 = arith.extui %sign3A_200 : i1 to i32
      %sign3A_202 = arith.subi %sign3A_198, %sign3A_201 : i32
      %ne3A_203 = arith.cmpi ne, %sign3A_195, %sign3A_202 : i32
      %rem3A_204 = arith.remsi %add3A_160, %jit3A_187 : i32
      %ne3A_205 = arith.constant 0 : i32
      %ne3A_206 = arith.cmpi ne, %rem3A_204, %ne3A_205 : i32
      %and3A_207 = arith.andi %ne3A_203, %ne3A_206 : i1
      %sub3A_208 = arith.constant 1 : i32
      %sub3A_209 = arith.subi %div3A_188, %sub3A_208 : i32
      %select_n3A_210 = arith.select %and3A_207, %sub3A_209, %div3A_188 : i32
      %add3A_211 = arith.addi %mul3A_32, %select_n3A_210 : i32
      %mul3A_212 = arith.constant 512 : i32
      %mul3A_213 = arith.muli %add3A_211, %mul3A_212 : i32
      %mul3A_214 = arith.constant 256 : i32
      %mul3A_215 = arith.muli %select_n3A_9, %mul3A_214 : i32
      %add3A_216 = arith.addi %mul3A_213, %mul3A_215 : i32
      %add3A_217 = arith.constant 0 : i32
      %add3A_218 = arith.addi %add3A_216, %add3A_217 : i32
      %dma_start3A_219 = arith.constant 0 : i32
      %dma_start3A_220 = arith.constant 0 : i32
      %dma_start3A_221 = arith.constant 0 : i32
      %dma_start3A_222 = tpu.memref_slice %arg8[%dma_start3A_219, %dma_start3A_220, %dma_start3A_221] : memref<2x128x128xf32, #tpu.memory_space<vmem>> -> memref<1x128x128xf32, #tpu.memory_space<vmem>>
      %dma_start3A_223 = tpu.memref_squeeze %dma_start3A_222 : memref<1x128x128xf32, #tpu.memory_space<vmem>> -> memref<128x128xf32, #tpu.memory_space<vmem>>
      %dma_start3A_224 = arith.constant 0 : i32
      %dma_start3A_225 = tpu.memref_slice %arg6[%add3A_218, %dma_start3A_224] : memref<524288x128xf32, #tpu.memory_space<hbm>> -> memref<128x128xf32, #tpu.memory_space<hbm>>
      %dma_start3A_226 = arith.constant 0 : i32
      %dma_start3A_227 = tpu.memref_slice %arg6[%add3A_218, %dma_start3A_226] : memref<524288x128xf32, #tpu.memory_space<hbm>> -> memref<128x128xf32, #tpu.memory_space<hbm>>
      %dma_start3A_228 = arith.constant 0 : i32
      %dma_start3A_229 = arith.constant 0 : i32
      %dma_start3A_230 = tpu.memref_slice %arg8[%dma_start3A_219, %dma_start3A_228, %dma_start3A_229] : memref<2x128x128xf32, #tpu.memory_space<vmem>> -> memref<1x128x128xf32, #tpu.memory_space<vmem>>
      %dma_start3A_231 = tpu.memref_squeeze %dma_start3A_230 : memref<1x128x128xf32, #tpu.memory_space<vmem>> -> memref<128x128xf32, #tpu.memory_space<vmem>>
      tpu.enqueue_dma source(%dma_start3A_231 : memref<128x128xf32, #tpu.memory_space<vmem>>) target(%dma_start3A_227 : memref<128x128xf32, #tpu.memory_space<hbm>>) target_semaphore(%arg13 : memref<!tpu.dma_semaphore, #tpu.memory_space<semaphore_mem>>)
      %mul3A_232 = arith.constant 2 : i32
      %mul3A_233 = arith.muli %scan3A_156, %mul3A_232 : i32
      %add3A_234 = arith.constant 1 : i32
      %add3A_235 = arith.addi %mul3A_233, %add3A_234 : i32
      %dma_wait3A_236 = arith.constant 0 : i32
      %dma_wait3A_237 = arith.constant 1 : i32
      %dma_wait3A_238 = arith.constant 0 : i32
      %dma_wait3A_239 = arith.constant 0 : i32
      %dma_wait3A_240 = tpu.memref_slice %arg8[%dma_wait3A_237, %dma_wait3A_238, %dma_wait3A_239] : memref<2x128x128xf32, #tpu.memory_space<vmem>> -> memref<1x128x128xf32, #tpu.memory_space<vmem>>
      %dma_wait3A_241 = tpu.memref_squeeze %dma_wait3A_240 : memref<1x128x128xf32, #tpu.memory_space<vmem>> -> memref<128x128xf32, #tpu.memory_space<vmem>>
      %dma_wait3A_242 = arith.constant 0 : i32
      %dma_wait3A_243 = tpu.memref_slice %arg7[%dma_wait3A_236, %dma_wait3A_242] : memref<64x256xi32, #tpu.memory_space<vmem>> -> memref<1x128xi32, #tpu.memory_space<vmem>>
      %dma_wait3A_244 = tpu.memref_squeeze %dma_wait3A_243 : memref<1x128xi32, #tpu.memory_space<vmem>> -> memref<128xi32, #tpu.memory_space<vmem>>
      %dma_wait3A_245 = arith.constant 0 : i32
      %dma_wait3A_246 = arith.constant 0 : i32
      %dma_wait3A_247 = tpu.memref_slice %arg3[%dma_wait3A_245, %dma_wait3A_246] : memref<1000000x128xf32, #tpu.memory_space<hbm>> -> memref<1000000x128xf32, #tpu.memory_space<hbm>>
      tpu.wait_indirect_dma semaphore(%arg12 : memref<!tpu.dma_semaphore, #tpu.memory_space<semaphore_mem>>) src(%dma_wait3A_247 : memref<1000000x128xf32, #tpu.memory_space<hbm>>) dst(%dma_wait3A_241 : memref<128x128xf32, #tpu.memory_space<vmem>>)
      %ge3A_248 = arith.constant 1 : i32
      %ge3A_249 = arith.cmpi sge, %add3A_235, %ge3A_248 : i32
      %convert_element_type3A_250 = arith.extui %ge3A_249 : i1 to i32
      %cond3A_251 = arith.constant 0 : i32
      %cond3A_252 = arith.cmpi ne, %convert_element_type3A_250, %cond3A_251 : i32
      scf.if %cond3A_252 {
        %dma_wait3A_310 = arith.constant 0 : i32
        %dma_wait3A_311 = arith.constant 0 : i32
        %dma_wait3A_312 = arith.constant 0 : i32
        %dma_wait3A_313 = tpu.memref_slice %arg8[%dma_wait3A_310, %dma_wait3A_311, %dma_wait3A_312] : memref<2x128x128xf32, #tpu.memory_space<vmem>> -> memref<1x128x128xf32, #tpu.memory_space<vmem>>
        %dma_wait3A_314 = tpu.memref_squeeze %dma_wait3A_313 : memref<1x128x128xf32, #tpu.memory_space<vmem>> -> memref<128x128xf32, #tpu.memory_space<vmem>>
        %dma_wait3A_315 = arith.constant 0 : i32
        %dma_wait3A_316 = arith.constant 0 : i32
        %dma_wait3A_317 = tpu.memref_slice %arg6[%dma_wait3A_315, %dma_wait3A_316] : memref<524288x128xf32, #tpu.memory_space<hbm>> -> memref<128x128xf32, #tpu.memory_space<hbm>>
        %dma_wait3A_318 = arith.constant 0 : i32
        %dma_wait3A_319 = arith.constant 0 : i32
        %dma_wait3A_320 = tpu.memref_slice %arg6[%dma_wait3A_318, %dma_wait3A_319] : memref<524288x128xf32, #tpu.memory_space<hbm>> -> memref<128x128xf32, #tpu.memory_space<hbm>>
        %dma_wait3A_321 = arith.constant 0 : i32
        %dma_wait3A_322 = arith.constant 0 : i32
        %dma_wait3A_323 = tpu.memref_slice %arg8[%dma_wait3A_310, %dma_wait3A_321, %dma_wait3A_322] : memref<2x128x128xf32, #tpu.memory_space<vmem>> -> memref<1x128x128xf32, #tpu.memory_space<vmem>>
        %dma_wait3A_324 = tpu.memref_squeeze %dma_wait3A_323 : memref<1x128x128xf32, #tpu.memory_space<vmem>> -> memref<128x128xf32, #tpu.memory_space<vmem>>
        tpu.wait_dma2 semaphore(%arg13 : memref<!tpu.dma_semaphore, #tpu.memory_space<semaphore_mem>>) src(%dma_wait3A_324 : memref<128x128xf32, #tpu.memory_space<vmem>>) dst(%dma_wait3A_320 : memref<128x128xf32, #tpu.memory_space<hbm>>)
      } else {
      }
      %add3A_253 = arith.constant 2 : i32
      %add3A_254 = arith.addi %add3A_235, %add3A_253 : i32
      %sub3A_255 = arith.constant 1 : i32
      %sub3A_256 = arith.subi %add3A_254, %sub3A_255 : i32
      %lt3A_257 = arith.constant 128 : i32
      %lt3A_258 = arith.cmpi slt, %sub3A_256, %lt3A_257 : i32
      %convert_element_type3A_259 = arith.extui %lt3A_258 : i1 to i32
      %cond3A_260 = arith.constant 0 : i32
      %cond3A_261 = arith.cmpi ne, %convert_element_type3A_259, %cond3A_260 : i32
      scf.if %cond3A_261 {
        %add3A_310 = arith.constant 2 : i32
        %add3A_311 = arith.addi %add3A_235, %add3A_310 : i32
        %sub3A_312 = arith.constant 1 : i32
        %sub3A_313 = arith.subi %add3A_311, %sub3A_312 : i32
        %jit3A_314 = arith.constant 2 : i32
        %div3A_315 = arith.divsi %sub3A_313, %jit3A_314 : i32
        %sign3A_316 = arith.constant 0 : i32
        %sign3A_317 = arith.cmpi sgt, %sub3A_313, %sign3A_316 : i32
        %sign3A_318 = arith.extui %sign3A_317 : i1 to i32
        %sign3A_319 = arith.constant 0 : i32
        %sign3A_320 = arith.cmpi slt, %sub3A_313, %sign3A_319 : i32
        %sign3A_321 = arith.extui %sign3A_320 : i1 to i32
        %sign3A_322 = arith.subi %sign3A_318, %sign3A_321 : i32
        %sign3A_323 = arith.constant 0 : i32
        %sign3A_324 = arith.cmpi sgt, %jit3A_314, %sign3A_323 : i32
        %sign3A_325 = arith.extui %sign3A_324 : i1 to i32
        %sign3A_326 = arith.constant 0 : i32
        %sign3A_327 = arith.cmpi slt, %jit3A_314, %sign3A_326 : i32
        %sign3A_328 = arith.extui %sign3A_327 : i1 to i32
        %sign3A_329 = arith.subi %sign3A_325, %sign3A_328 : i32
        %ne3A_330 = arith.cmpi ne, %sign3A_322, %sign3A_329 : i32
        %rem3A_331 = arith.remsi %sub3A_313, %jit3A_314 : i32
        %ne3A_332 = arith.constant 0 : i32
        %ne3A_333 = arith.cmpi ne, %rem3A_331, %ne3A_332 : i32
        %and3A_334 = arith.andi %ne3A_330, %ne3A_333 : i1
        %sub3A_335 = arith.constant 1 : i32
        %sub3A_336 = arith.subi %div3A_315, %sub3A_335 : i32
        %select_n3A_337 = arith.select %and3A_334, %sub3A_336, %div3A_315 : i32
        %jit3A_338 = arith.constant 2 : i32
        %eq3A_339 = arith.constant 0 : i32
        %eq3A_340 = arith.cmpi eq, %jit3A_338, %eq3A_339 : i32
        %jit3A_341 = arith.constant 1 : i32
        %select_n3A_342 = arith.select %eq3A_340, %jit3A_341, %jit3A_338 : i32
        %rem3A_343 = arith.remsi %sub3A_313, %select_n3A_342 : i32
        %ne3A_344 = arith.constant 0 : i32
        %ne3A_345 = arith.cmpi ne, %rem3A_343, %ne3A_344 : i32
        %lt3A_346 = arith.constant 0 : i32
        %lt3A_347 = arith.cmpi slt, %rem3A_343, %lt3A_346 : i32
        %lt3A_348 = arith.constant 0 : i32
        %lt3A_349 = arith.cmpi slt, %select_n3A_342, %lt3A_348 : i32
        %ne3A_350 = arith.xori %lt3A_347, %lt3A_349 : i1
        %and3A_351 = arith.andi %ne3A_350, %ne3A_345 : i1
        %add3A_352 = arith.addi %rem3A_343, %select_n3A_342 : i32
        %select_n3A_353 = arith.select %and3A_351, %add3A_352, %rem3A_343 : i32
        %mul3A_354 = arith.constant 128 : i32
        %mul3A_355 = arith.muli %select_n3A_353, %mul3A_354 : i32
        %dma_start3A_356 = arith.constant 0 : i32
        %dma_start3A_357 = arith.constant 0 : i32
        %dma_start3A_358 = arith.constant 0 : i32
        %dma_start3A_359 = tpu.memref_slice %arg8[%dma_start3A_356, %dma_start3A_357, %dma_start3A_358] : memref<2x128x128xf32, #tpu.memory_space<vmem>> -> memref<1x128x128xf32, #tpu.memory_space<vmem>>
        %dma_start3A_360 = tpu.memref_squeeze %dma_start3A_359 : memref<1x128x128xf32, #tpu.memory_space<vmem>> -> memref<128x128xf32, #tpu.memory_space<vmem>>
        %dma_start3A_361 = tpu.memref_slice %arg7[%select_n3A_337, %mul3A_355] : memref<64x256xi32, #tpu.memory_space<vmem>> -> memref<1x128xi32, #tpu.memory_space<vmem>>
        %dma_start3A_362 = tpu.memref_squeeze %dma_start3A_361 : memref<1x128xi32, #tpu.memory_space<vmem>> -> memref<128xi32, #tpu.memory_space<vmem>>
        %dma_start3A_363 = arith.constant 0 : i32
        %dma_start3A_364 = arith.constant 0 : i32
        %dma_start3A_365 = tpu.memref_slice %arg3[%dma_start3A_363, %dma_start3A_364] : memref<1000000x128xf32, #tpu.memory_space<hbm>> -> memref<1000000x128xf32, #tpu.memory_space<hbm>>
        tpu.enqueue_indirect_dma source(%dma_start3A_365 : memref<1000000x128xf32, #tpu.memory_space<hbm>>) target(%dma_start3A_360 : memref<128x128xf32, #tpu.memory_space<vmem>>) offsets(%dma_start3A_362 : memref<128xi32, #tpu.memory_space<vmem>>) semaphore(%arg11 : memref<!tpu.dma_semaphore, #tpu.memory_space<semaphore_mem>>)
      } else {
      }
      %parallel_loop3A_262 = arith.constant 0 : i32
      %parallel_loop3A_263 = arith.constant 128 : i32
      %parallel_loop3A_264 = arith.constant 1 : i32
      scf.for %parallel_loop3A_310 = %parallel_loop3A_262 to %parallel_loop3A_263 step %parallel_loop3A_264  : i32 {
        %parallel_loop3A_311 = arith.constant 128 : i32
        %parallel_loop3A_312 = arith.addi %parallel_loop3A_311, %parallel_loop3A_310 : i32
        %parallel_loop3A_313 = arith.index_cast %parallel_loop3A_312 : i32 to index
        %parallel_loop3A_314 = arith.constant 0 : index
        %parallel_loop3A_315 = tpu.vector_load %arg9[%parallel_loop3A_313, %parallel_loop3A_314] {strides = array<i32>} : memref<256x128xf32, #tpu.memory_space<vmem>>, vector<1x16xf32>,
        %parallel_loop3A_316 = vector.shape_cast %parallel_loop3A_315 : vector<1x16xf32> to vector<16xf32>
        %parallel_loop3A_317 = arith.constant 1 : i32
        %parallel_loop3A_318 = arith.index_cast %parallel_loop3A_317 : i32 to index
        %parallel_loop3A_319 = arith.index_cast %parallel_loop3A_310 : i32 to index
        %parallel_loop3A_320 = arith.constant 0 : index
        %parallel_loop3A_321 = tpu.vector_load %arg8[%parallel_loop3A_318, %parallel_loop3A_319, %parallel_loop3A_320] {strides = array<i32>} : memref<2x128x128xf32, #tpu.memory_space<vmem>>, vector<1x1x16xf32>,
        %parallel_loop3A_322 = vector.shape_cast %parallel_loop3A_321 : vector<1x1x16xf32> to vector<16xf32>
        %parallel_loop3A_323 = vector.shape_cast %parallel_loop3A_316 : vector<16xf32> to vector<1x1x16xf32>
        tpu.vector_store %arg8[%parallel_loop3A_318, %parallel_loop3A_319, %parallel_loop3A_320], %parallel_loop3A_323 {add = true, strides = array<i32>} : memref<2x128x128xf32, #tpu.memory_space<vmem>>, vector<1x1x16xf32>,
        %parallel_loop3A_324 = arith.constant 128 : i32
        %parallel_loop3A_325 = arith.addi %parallel_loop3A_324, %parallel_loop3A_310 : i32
        %parallel_loop3A_326 = arith.index_cast %parallel_loop3A_325 : i32 to index
        %parallel_loop3A_327 = arith.constant 16 : index
        %parallel_loop3A_328 = tpu.vector_load %arg9[%parallel_loop3A_326, %parallel_loop3A_327] {strides = array<i32>} : memref<256x128xf32, #tpu.memory_space<vmem>>, vector<1x16xf32>,
        %parallel_loop3A_329 = vector.shape_cast %parallel_loop3A_328 : vector<1x16xf32> to vector<16xf32>
        %parallel_loop3A_330 = arith.constant 1 : i32
        %parallel_loop3A_331 = arith.index_cast %parallel_loop3A_330 : i32 to index
        %parallel_loop3A_332 = arith.index_cast %parallel_loop3A_310 : i32 to index
        %parallel_loop3A_333 = arith.constant 16 : index
        %parallel_loop3A_334 = tpu.vector_load %arg8[%parallel_loop3A_331, %parallel_loop3A_332, %parallel_loop3A_333] {strides = array<i32>} : memref<2x128x128xf32, #tpu.memory_space<vmem>>, vector<1x1x16xf32>,
        %parallel_loop3A_335 = vector.shape_cast %parallel_loop3A_334 : vector<1x1x16xf32> to vector<16xf32>
        %parallel_loop3A_336 = vector.shape_cast %parallel_loop3A_329 : vector<16xf32> to vector<1x1x16xf32>
        tpu.vector_store %arg8[%parallel_loop3A_331, %parallel_loop3A_332, %parallel_loop3A_333], %parallel_loop3A_336 {add = true, strides = array<i32>} : memref<2x128x128xf32, #tpu.memory_space<vmem>>, vector<1x1x16xf32>,
        %parallel_loop3A_337 = arith.constant 128 : i32
        %parallel_loop3A_338 = arith.addi %parallel_loop3A_337, %parallel_loop3A_310 : i32
        %parallel_loop3A_339 = arith.index_cast %parallel_loop3A_338 : i32 to index
        %parallel_loop3A_340 = arith.constant 32 : index
        %parallel_loop3A_341 = tpu.vector_load %arg9[%parallel_loop3A_339, %parallel_loop3A_340] {strides = array<i32>} : memref<256x128xf32, #tpu.memory_space<vmem>>, vector<1x16xf32>,
        %parallel_loop3A_342 = vector.shape_cast %parallel_loop3A_341 : vector<1x16xf32> to vector<16xf32>
        %parallel_loop3A_343 = arith.constant 1 : i32
        %parallel_loop3A_344 = arith.index_cast %parallel_loop3A_343 : i32 to index
        %parallel_loop3A_345 = arith.index_cast %parallel_loop3A_310 : i32 to index
        %parallel_loop3A_346 = arith.constant 32 : index
        %parallel_loop3A_347 = tpu.vector_load %arg8[%parallel_loop3A_344, %parallel_loop3A_345, %parallel_loop3A_346] {strides = array<i32>} : memref<2x128x128xf32, #tpu.memory_space<vmem>>, vector<1x1x16xf32>,
        %parallel_loop3A_348 = vector.shape_cast %parallel_loop3A_347 : vector<1x1x16xf32> to vector<16xf32>
        %parallel_loop3A_349 = vector.shape_cast %parallel_loop3A_342 : vector<16xf32> to vector<1x1x16xf32>
        tpu.vector_store %arg8[%parallel_loop3A_344, %parallel_loop3A_345, %parallel_loop3A_346], %parallel_loop3A_349 {add = true, strides = array<i32>} : memref<2x128x128xf32, #tpu.memory_space<vmem>>, vector<1x1x16xf32>,
        %parallel_loop3A_350 = arith.constant 128 : i32
        %parallel_loop3A_351 = arith.addi %parallel_loop3A_350, %parallel_loop3A_310 : i32
        %parallel_loop3A_352 = arith.index_cast %parallel_loop3A_351 : i32 to index
        %parallel_loop3A_353 = arith.constant 48 : index
        %parallel_loop3A_354 = tpu.vector_load %arg9[%parallel_loop3A_352, %parallel_loop3A_353] {strides = array<i32>} : memref<256x128xf32, #tpu.memory_space<vmem>>, vector<1x16xf32>,
        %parallel_loop3A_355 = vector.shape_cast %parallel_loop3A_354 : vector<1x16xf32> to vector<16xf32>
        %parallel_loop3A_356 = arith.constant 1 : i32
        %parallel_loop3A_357 = arith.index_cast %parallel_loop3A_356 : i32 to index
        %parallel_loop3A_358 = arith.index_cast %parallel_loop3A_310 : i32 to index
        %parallel_loop3A_359 = arith.constant 48 : index
        %parallel_loop3A_360 = tpu.vector_load %arg8[%parallel_loop3A_357, %parallel_loop3A_358, %parallel_loop3A_359] {strides = array<i32>} : memref<2x128x128xf32, #tpu.memory_space<vmem>>, vector<1x1x16xf32>,
        %parallel_loop3A_361 = vector.shape_cast %parallel_loop3A_360 : vector<1x1x16xf32> to vector<16xf32>
        %parallel_loop3A_362 = vector.shape_cast %parallel_loop3A_355 : vector<16xf32> to vector<1x1x16xf32>
        tpu.vector_store %arg8[%parallel_loop3A_357, %parallel_loop3A_358, %parallel_loop3A_359], %parallel_loop3A_362 {add = true, strides = array<i32>} : memref<2x128x128xf32, #tpu.memory_space<vmem>>, vector<1x1x16xf32>,
        %parallel_loop3A_363 = arith.constant 128 : i32
        %parallel_loop3A_364 = arith.addi %parallel_loop3A_363, %parallel_loop3A_310 : i32
        %parallel_loop3A_365 = arith.index_cast %parallel_loop3A_364 : i32 to index
        %parallel_loop3A_366 = arith.constant 64 : index
        %parallel_loop3A_367 = tpu.vector_load %arg9[%parallel_loop3A_365, %parallel_loop3A_366] {strides = array<i32>} : memref<256x128xf32, #tpu.memory_space<vmem>>, vector<1x16xf32>,
        %parallel_loop3A_368 = vector.shape_cast %parallel_loop3A_367 : vector<1x16xf32> to vector<16xf32>
        %parallel_loop3A_369 = arith.constant 1 : i32
        %parallel_loop3A_370 = arith.index_cast %parallel_loop3A_369 : i32 to index
        %parallel_loop3A_371 = arith.index_cast %parallel_loop3A_310 : i32 to index
        %parallel_loop3A_372 = arith.constant 64 : index
        %parallel_loop3A_373 = tpu.vector_load %arg8[%parallel_loop3A_370, %parallel_loop3A_371, %parallel_loop3A_372] {strides = array<i32>} : memref<2x128x128xf32, #tpu.memory_space<vmem>>, vector<1x1x16xf32>,
        %parallel_loop3A_374 = vector.shape_cast %parallel_loop3A_373 : vector<1x1x16xf32> to vector<16xf32>
        %parallel_loop3A_375 = vector.shape_cast %parallel_loop3A_368 : vector<16xf32> to vector<1x1x16xf32>
        tpu.vector_store %arg8[%parallel_loop3A_370, %parallel_loop3A_371, %parallel_loop3A_372], %parallel_loop3A_375 {add = true, strides = array<i32>} : memref<2x128x128xf32, #tpu.memory_space<vmem>>, vector<1x1x16xf32>,
        %parallel_loop3A_376 = arith.constant 128 : i32
        %parallel_loop3A_377 = arith.addi %parallel_loop3A_376, %parallel_loop3A_310 : i32
        %parallel_loop3A_378 = arith.index_cast %parallel_loop3A_377 : i32 to index
        %parallel_loop3A_379 = arith.constant 80 : index
        %parallel_loop3A_380 = tpu.vector_load %arg9[%parallel_loop3A_378, %parallel_loop3A_379] {strides = array<i32>} : memref<256x128xf32, #tpu.memory_space<vmem>>, vector<1x16xf32>,
        %parallel_loop3A_381 = vector.shape_cast %parallel_loop3A_380 : vector<1x16xf32> to vector<16xf32>
        %parallel_loop3A_382 = arith.constant 1 : i32
        %parallel_loop3A_383 = arith.index_cast %parallel_loop3A_382 : i32 to index
        %parallel_loop3A_384 = arith.index_cast %parallel_loop3A_310 : i32 to index
        %parallel_loop3A_385 = arith.constant 80 : index
        %parallel_loop3A_386 = tpu.vector_load %arg8[%parallel_loop3A_383, %parallel_loop3A_384, %parallel_loop3A_385] {strides = array<i32>} : memref<2x128x128xf32, #tpu.memory_space<vmem>>, vector<1x1x16xf32>,
        %parallel_loop3A_387 = vector.shape_cast %parallel_loop3A_386 : vector<1x1x16xf32> to vector<16xf32>
        %parallel_loop3A_388 = vector.shape_cast %parallel_loop3A_381 : vector<16xf32> to vector<1x1x16xf32>
        tpu.vector_store %arg8[%parallel_loop3A_383, %parallel_loop3A_384, %parallel_loop3A_385], %parallel_loop3A_388 {add = true, strides = array<i32>} : memref<2x128x128xf32, #tpu.memory_space<vmem>>, vector<1x1x16xf32>,
        %parallel_loop3A_389 = arith.constant 128 : i32
        %parallel_loop3A_390 = arith.addi %parallel_loop3A_389, %parallel_loop3A_310 : i32
        %parallel_loop3A_391 = arith.index_cast %parallel_loop3A_390 : i32 to index
        %parallel_loop3A_392 = arith.constant 96 : index
        %parallel_loop3A_393 = tpu.vector_load %arg9[%parallel_loop3A_391, %parallel_loop3A_392] {strides = array<i32>} : memref<256x128xf32, #tpu.memory_space<vmem>>, vector<1x16xf32>,
        %parallel_loop3A_394 = vector.shape_cast %parallel_loop3A_393 : vector<1x16xf32> to vector<16xf32>
        %parallel_loop3A_395 = arith.constant 1 : i32
        %parallel_loop3A_396 = arith.index_cast %parallel_loop3A_395 : i32 to index
        %parallel_loop3A_397 = arith.index_cast %parallel_loop3A_310 : i32 to index
        %parallel_loop3A_398 = arith.constant 96 : index
        %parallel_loop3A_399 = tpu.vector_load %arg8[%parallel_loop3A_396, %parallel_loop3A_397, %parallel_loop3A_398] {strides = array<i32>} : memref<2x128x128xf32, #tpu.memory_space<vmem>>, vector<1x1x16xf32>,
        %parallel_loop3A_400 = vector.shape_cast %parallel_loop3A_399 : vector<1x1x16xf32> to vector<16xf32>
        %parallel_loop3A_401 = vector.shape_cast %parallel_loop3A_394 : vector<16xf32> to vector<1x1x16xf32>
        tpu.vector_store %arg8[%parallel_loop3A_396, %parallel_loop3A_397, %parallel_loop3A_398], %parallel_loop3A_401 {add = true, strides = array<i32>} : memref<2x128x128xf32, #tpu.memory_space<vmem>>, vector<1x1x16xf32>,
        %parallel_loop3A_402 = arith.constant 128 : i32
        %parallel_loop3A_403 = arith.addi %parallel_loop3A_402, %parallel_loop3A_310 : i32
        %parallel_loop3A_404 = arith.index_cast %parallel_loop3A_403 : i32 to index
        %parallel_loop3A_405 = arith.constant 112 : index
        %parallel_loop3A_406 = tpu.vector_load %arg9[%parallel_loop3A_404, %parallel_loop3A_405] {strides = array<i32>} : memref<256x128xf32, #tpu.memory_space<vmem>>, vector<1x16xf32>,
        %parallel_loop3A_407 = vector.shape_cast %parallel_loop3A_406 : vector<1x16xf32> to vector<16xf32>
        %parallel_loop3A_408 = arith.constant 1 : i32
        %parallel_loop3A_409 = arith.index_cast %parallel_loop3A_408 : i32 to index
        %parallel_loop3A_410 = arith.index_cast %parallel_loop3A_310 : i32 to index
        %parallel_loop3A_411 = arith.constant 112 : index
        %parallel_loop3A_412 = tpu.vector_load %arg8[%parallel_loop3A_409, %parallel_loop3A_410, %parallel_loop3A_411] {strides = array<i32>} : memref<2x128x128xf32, #tpu.memory_space<vmem>>, vector<1x1x16xf32>,
        %parallel_loop3A_413 = vector.shape_cast %parallel_loop3A_412 : vector<1x1x16xf32> to vector<16xf32>
        %parallel_loop3A_414 = vector.shape_cast %parallel_loop3A_407 : vector<16xf32> to vector<1x1x16xf32>
        tpu.vector_store %arg8[%parallel_loop3A_409, %parallel_loop3A_410, %parallel_loop3A_411], %parallel_loop3A_414 {add = true, strides = array<i32>} : memref<2x128x128xf32, #tpu.memory_space<vmem>>, vector<1x1x16xf32>,
      } {sc.loop_unroll_factor = 4 : i64, sc.parallel_access}
      %jit3A_265 = arith.constant 2 : i32
      %div3A_266 = arith.divsi %add3A_235, %jit3A_265 : i32
      %sign3A_267 = arith.constant 0 : i32
      %sign3A_268 = arith.cmpi sgt, %add3A_235, %sign3A_267 : i32
      %sign3A_269 = arith.extui %sign3A_268 : i1 to i32
      %sign3A_270 = arith.constant 0 : i32
      %sign3A_271 = arith.cmpi slt, %add3A_235, %sign3A_270 : i32
      %sign3A_272 = arith.extui %sign3A_271 : i1 to i32
      %sign3A_273 = arith.subi %sign3A_269, %sign3A_272 : i32
      %sign3A_274 = arith.constant 0 : i32
      %sign3A_275 = arith.cmpi sgt, %jit3A_265, %sign3A_274 : i32
      %sign3A_276 = arith.extui %sign3A_275 : i1 to i32
      %sign3A_277 = arith.constant 0 : i32
      %sign3A_278 = arith.cmpi slt, %jit3A_265, %sign3A_277 : i32
      %sign3A_279 = arith.extui %sign3A_278 : i1 to i32
      %sign3A_280 = arith.subi %sign3A_276, %sign3A_279 : i32
      %ne3A_281 = arith.cmpi ne, %sign3A_273, %sign3A_280 : i32
      %rem3A_282 = arith.remsi %add3A_235, %jit3A_265 : i32
      %ne3A_283 = arith.constant 0 : i32
      %ne3A_284 = arith.cmpi ne, %rem3A_282, %ne3A_283 : i32
      %and3A_285 = arith.andi %ne3A_281, %ne3A_284 : i1
      %sub3A_286 = arith.constant 1 : i32
      %sub3A_287 = arith.subi %div3A_266, %sub3A_286 : i32
      %select_n3A_288 = arith.select %and3A_285, %sub3A_287, %div3A_266 : i32
      %add3A_289 = arith.addi %mul3A_32, %select_n3A_288 : i32
      %mul3A_290 = arith.constant 512 : i32
      %mul3A_291 = arith.muli %add3A_289, %mul3A_290 : i32
      %mul3A_292 = arith.constant 256 : i32
      %mul3A_293 = arith.muli %select_n3A_9, %mul3A_292 : i32
      %add3A_294 = arith.addi %mul3A_291, %mul3A_293 : i32
      %add3A_295 = arith.constant 128 : i32
      %add3A_296 = arith.addi %add3A_294, %add3A_295 : i32
      %dma_start3A_297 = arith.constant 1 : i32
      %dma_start3A_298 = arith.constant 0 : i32
      %dma_start3A_299 = arith.constant 0 : i32
      %dma_start3A_300 = tpu.memref_slice %arg8[%dma_start3A_297, %dma_start3A_298, %dma_start3A_299] : memref<2x128x128xf32, #tpu.memory_space<vmem>> -> memref<1x128x128xf32, #tpu.memory_space<vmem>>
      %dma_start3A_301 = tpu.memref_squeeze %dma_start3A_300 : memref<1x128x128xf32, #tpu.memory_space<vmem>> -> memref<128x128xf32, #tpu.memory_space<vmem>>
      %dma_start3A_302 = arith.constant 0 : i32
      %dma_start3A_303 = tpu.memref_slice %arg6[%add3A_296, %dma_start3A_302] : memref<524288x128xf32, #tpu.memory_space<hbm>> -> memref<128x128xf32, #tpu.memory_space<hbm>>
      %dma_start3A_304 = arith.constant 0 : i32
      %dma_start3A_305 = tpu.memref_slice %arg6[%add3A_296, %dma_start3A_304] : memref<524288x128xf32, #tpu.memory_space<hbm>> -> memref<128x128xf32, #tpu.memory_space<hbm>>
      %dma_start3A_306 = arith.constant 0 : i32
      %dma_start3A_307 = arith.constant 0 : i32
      %dma_start3A_308 = tpu.memref_slice %arg8[%dma_start3A_297, %dma_start3A_306, %dma_start3A_307] : memref<2x128x128xf32, #tpu.memory_space<vmem>> -> memref<1x128x128xf32, #tpu.memory_space<vmem>>
      %dma_start3A_309 = tpu.memref_squeeze %dma_start3A_308 : memref<1x128x128xf32, #tpu.memory_space<vmem>> -> memref<128x128xf32, #tpu.memory_space<vmem>>
      tpu.enqueue_dma source(%dma_start3A_309 : memref<128x128xf32, #tpu.memory_space<vmem>>) target(%dma_start3A_305 : memref<128x128xf32, #tpu.memory_space<hbm>>) target_semaphore(%arg14 : memref<!tpu.dma_semaphore, #tpu.memory_space<semaphore_mem>>)
    }
    %scan3A_141 = arith.constant 64 : i32
    %dma_wait3A = arith.constant 1 : i32
    %dma_wait3A_142 = arith.constant 0 : i32
    %dma_wait3A_143 = arith.constant 0 : i32
    %dma_wait3A_144 = tpu.memref_slice %arg8[%dma_wait3A, %dma_wait3A_142, %dma_wait3A_143] : memref<2x128x128xf32, #tpu.memory_space<vmem>> -> memref<1x128x128xf32, #tpu.memory_space<vmem>>
    %dma_wait3A_145 = tpu.memref_squeeze %dma_wait3A_144 : memref<1x128x128xf32, #tpu.memory_space<vmem>> -> memref<128x128xf32, #tpu.memory_space<vmem>>
    %dma_wait3A_146 = arith.constant 0 : i32
    %dma_wait3A_147 = arith.constant 0 : i32
    %dma_wait3A_148 = tpu.memref_slice %arg6[%dma_wait3A_146, %dma_wait3A_147] : memref<524288x128xf32, #tpu.memory_space<hbm>> -> memref<128x128xf32, #tpu.memory_space<hbm>>
    %dma_wait3A_149 = arith.constant 0 : i32
    %dma_wait3A_150 = arith.constant 0 : i32
    %dma_wait3A_151 = tpu.memref_slice %arg6[%dma_wait3A_149, %dma_wait3A_150] : memref<524288x128xf32, #tpu.memory_space<hbm>> -> memref<128x128xf32, #tpu.memory_space<hbm>>
    %dma_wait3A_152 = arith.constant 0 : i32
    %dma_wait3A_153 = arith.constant 0 : i32
    %dma_wait3A_154 = tpu.memref_slice %arg8[%dma_wait3A, %dma_wait3A_152, %dma_wait3A_153] : memref<2x128x128xf32, #tpu.memory_space<vmem>> -> memref<1x128x128xf32, #tpu.memory_space<vmem>>
    %dma_wait3A_155 = tpu.memref_squeeze %dma_wait3A_154 : memref<1x128x128xf32, #tpu.memory_space<vmem>> -> memref<128x128xf32, #tpu.memory_space<vmem>>
    tpu.wait_dma2 semaphore(%arg14 : memref<!tpu.dma_semaphore, #tpu.memory_space<semaphore_mem>>) src(%dma_wait3A_155 : memref<128x128xf32, #tpu.memory_space<vmem>>) dst(%dma_wait3A_151 : memref<128x128xf32, #tpu.memory_space<hbm>>)
    return
  }
}

</mosaic_0001>

<sc_bundles>
// kernel: kernel.3.cloned.1.call-start
scs
__scs_entry_jumppad:
0x0: {  	(pc) =	sbr.rel $0x88, $3  }
0x1: {  	(tag) =	ssettag $0x0;
	lr =	simm.s32 $0x1  }
0x2: {  	[smem:$0x3F9D] =	sst lr;
	_ =	strace $0xD0000000  }
0x3: {  	_ = 	snop  }
0x4: {  	_ = 	snop  }
0x5: {  	_ = 	snop  }
0x6: {  	_ = 	snop  }
0x7: {  	_ = 	snop  }
__scs_overlays_trampoline_lowered:
0x8: {  	[smem:$0x3FAC] =	sst s0  }
0x9: {  	[smem:$0x3FAD] =	sst s1  }
0xa: {  	[smem:$0x3FAE] =	sst s2  }
0xb: {  	[smem:$0x3FAF] =	sst s3  }
0xc: {  	[smem:$0x3FB0] =	sst s4  }
0xd: {  	[smem:$0x3FB1] =	sst s5  }
0xe: {  	[smem:$0x3FB2] =	sst s6  }
0xf: {  	[smem:$0x3FB3] =	sst s7  }
0x10: {  	[smem:$0x3FB4] =	sst s8  }
0x11: {  	[smem:$0x3FB5] =	sst s9;
	s0 =	simm.s32 @!p0 $0x0  }
0x12: {  	s1 =	sld [smem:$0x3F9B];
	s0 =	simm.s32 @p0 $0x1  }
0x13: {  	[smem:$0x3FB6] =	sst s0;
	s0 =	simm.s32 @!p1 $0x0  }
0x14: {  	s2 =	sld [smem:$0x3F9A];
	s0 =	simm.s32 @p1 $0x1  }
0x15: {  	[smem:$0x3FB7] =	sst s0;
	s0 =	simm.s32 @!p2 $0x0  }
0x16: {  	s3 =	sld [smem:$0x3FDB];
	s0 =	simm.s32 @p2 $0x1  }
0x17: {  	s4 =	simm.s32 $0x1BF5;
	[smem:$0x3FB9] =	sst s0  }
0x18: {  	s0 =	sld [smem:$0x3F9C];
	_ =	swait.ge [sflag:s4], $0x0  }
0x19: {  	s7 =	sld [smem:$0x3F9D]  }
0x1a: {  	s8 =	sadd.s32 $0xFFFFE003, lr  }
0x1b: {  	s9 =	sadd.s32 $0xFFFFFEF7, lr;
	s5 =	simm.s32 $0xFFFFFFFF;
	p2 =	slt.u32 s8, $0xFFFFF086  }
0x1c: {  	p1 =	slt.u32 s9, $0xF7A;
	s5 =	simm.s32 @!p2 $0x0  }
0x1d: {  	s5 =	simm.s32 @p1 $0x1;
	p0 =	seq.s32 s7, s2  }
0x1e: {  	s7 =	smul.u32 @!p0 $0xF7A, s2;
	p2 =	seq.s32 @!p0 s5, $0x0  }
0x1f: {  	s9 =	smul.u32 $0xF7A, s1;
	s8 =	simm.s32 @!p0 $0x1BF5;
	p2 =	por !p2, p0  }
0x20: {  	[sflag:s8] =	ssyncset.s32 @!p0 $0xFFFFF086;
	s6 =	sadd.s32 @!p0 s3, s7;
	s7 =	simm.s32 @!p0 $0x108  }
0x21: {  	s3 =	sadd.s32 s3, s9;
	s6 =	sadd.s32 @!p0 $0x88, s6;
	s7 =	simm.s32 @p2 $0x1082  }
0x22: {  	[simem:s7], [sflag:s8] =	dma.local @!p0 [hbm:s6], $0xF7A  }
0x23: {  	s9 =	sor.u32 $0xD0000000, s2;
	s6 =	simm.s32 $0x108;
	_ =	swait.ge @!p0 [sflag:s8], $0x0  }
0x24: {  	s3 =	sadd.s32 $0x88, s3;
	s6 =	simm.s32 @!p1 $0x1082;
	[sflag:s4] =	ssyncset.s32 $0xFFFFF086  }
0x25: {  	[simem:s6], [sflag:s4] =	dma.local [hbm:s3], $0xF7A  }
0x26: {  	[smem:$0x3F9D] =	sst s1;
	(tag) =	ssettag s2;
	_ =	strace s9  }
0x27: {  	s1 =	sld [smem:$0x3FAD]  }
0x28: {  	s2 =	sld [smem:$0x3FAE]  }
0x29: {  	s4 =	sld [smem:$0x3FB0]  }
0x2a: {  	p0 =	seq.s32 s5, $0x0;
	s5 =	sld [smem:$0x3FB1]  }
0x2b: {  	s6 =	sld [smem:$0x3FB2]  }
0x2c: {  	s7 =	sld [smem:$0x3FB3]  }
0x2d: {  	s3 =	simm.s32 $0x108;
	s8 =	sld [smem:$0x3FB4]  }
0x2e: {  	s3 =	simm.s32 @!p0 $0x1082;
	s9 =	sld [smem:$0x3FB5]  }
0x2f: {  	lr =	sadd.s32 s0, s3;
	s0 =	sld [smem:$0x3FAC]  }
0x30: {  	s3 =	sld [smem:$0x3FAF]  }
0x31: {  	[smem:$0x3FB8] =	sst s10  }
0x32: {  	s10 =	sld [smem:$0x3FB6];
	_ =	sdelay $0x3  }
0x33: {  	p0 =	seq.s32 s10, $0x1;
	s10 =	sld [smem:$0x3FB8];
	_ =	sdelay $0x3  }
0x34: {  	[smem:$0x3FB8] =	sst s10  }
0x35: {  	s10 =	sld [smem:$0x3FB7];
	_ =	sdelay $0x3  }
0x36: {  	p1 =	seq.s32 s10, $0x1;
	s10 =	sld [smem:$0x3FB8];
	_ =	sdelay $0x3  }
0x37: {  	[smem:$0x3FB8] =	sst s10  }
0x38: {  	s10 =	sld [smem:$0x3FB9]  }
0x39: {  	_ = 	snop;
	(pc) =	sbr.ind lr, $3  }
0x3a: {  	_ = 	snop  }
0x3b: {  	_ = 	snop  }
0x3c: {  	p2 =	seq.s32 s10, $0x1;
	s10 =	sld [smem:$0x3FB8]  }
0x3d: {  	_ =	shalt  }
0x3e: {  	_ =	shalt  }
0x3f: {  	_ =	shalt  }
0x40: {  	_ =	shalt  }
0x41: {  	_ =	shalt  }
0x42: {  	_ =	shalt  }
0x43: {  	_ =	shalt  }
0x44: {  	_ =	shalt  }
0x45: {  	_ =	shalt  }
0x46: {  	_ =	shalt  }
0x47: {  	_ =	shalt  }
0x48: {  	_ =	shalt  }
0x49: {  	_ =	shalt  }
0x4a: {  	_ =	shalt  }
0x4b: {  	_ =	shalt  }
0x4c: {  	_ =	shalt  }
0x4d: {  	_ =	shalt  }
0x4e: {  	_ =	shalt  }
0x4f: {  	_ =	shalt  }
0x50: {  	_ =	shalt  }
0x51: {  	_ =	shalt  }
0x52: {  	_ =	shalt  }
0x53: {  	_ =	shalt  }
0x54: {  	_ =	shalt  }
0x55: {  	_ =	shalt  }
0x56: {  	_ =	shalt  }
0x57: {  	_ =	shalt  }
0x58: {  	_ =	shalt  }
0x59: {  	_ =	shalt  }
0x5a: {  	_ =	shalt  }
0x5b: {  	_ =	shalt  }
0x5c: {  	_ =	shalt  }
0x5d: {  	_ =	shalt  }
0x5e: {  	_ =	shalt  }
0x5f: {  	_ =	shalt  }
0x60: {  	_ =	shalt  }
0x61: {  	_ =	shalt  }
0x62: {  	_ =	shalt  }
0x63: {  	_ =	shalt  }
0x64: {  	_ =	shalt  }
0x65: {  	_ =	shalt  }
0x66: {  	_ =	shalt  }
0x67: {  	_ =	shalt  }
0x68: {  	_ =	shalt  }
0x69: {  	_ =	shalt  }
0x6a: {  	_ =	shalt  }
0x6b: {  	_ =	shalt  }
0x6c: {  	_ =	shalt  }
0x6d: {  	_ =	shalt  }
0x6e: {  	_ =	shalt  }
0x6f: {  	_ =	shalt  }
0x70: {  	_ =	shalt  }
0x71: {  	_ =	shalt  }
0x72: {  	_ =	shalt  }
0x73: {  	_ =	shalt  }
0x74: {  	_ =	shalt  }
0x75: {  	_ =	shalt  }
0x76: {  	_ =	shalt  }
0x77: {  	_ =	shalt  }
0x78: {  	_ =	shalt  }
0x79: {  	_ =	shalt  }
0x7a: {  	_ =	shalt  }
0x7b: {  	_ =	shalt  }
0x7c: {  	_ =	shalt  }
0x7d: {  	_ =	shalt  }
0x7e: {  	_ =	shalt  }
0x7f: {  	_ =	shalt  }
0x80: {  	_ =	shalt  }
0x81: {  	_ =	shalt  }
0x82: {  	_ =	shalt  }
0x83: {  	_ =	shalt  }
0x84: {  	_ =	shalt  }
0x85: {  	_ =	shalt  }
0x86: {  	_ =	shalt  }
0x87: {  	_ =	shalt  }
.Lfunc_end0:
.L_simem_size_0:
called_computation_lowered:
.L_overlay_start_0:
0x88: {  	s2 =	sld [smem:$0x3FD9]  }
0x89: {  	s3 =	sld [smem:$0x3FFE];
	_ =	sdelay $0x1  }
0x8a: {  	s1 =	srdreg.scid  }
0x8b: {  	s0 =	sand.u32 $0x1, s1  }
0x8c: {  	s17 =	sshll.u32 s0, $0xA;
	s2 =	sadd.s32 s3, s2  }
0x8d: {  	s2 =	sadd.s32 s2, s17  }
0x8e: {  	[smem:$0x3FC4] =	sst s2  }
0x8f: {  	_ = 	snop  }
0x90: {  	s2 =	sld [smem:$0x3FC8]  }
0x91: {  	s18 =	sld [smem:$0x3FC6]  }
0x92: {  	s4 =	sld [smem:$0x3FD0];
	(tm) =	ssettm $0x1  }
0x93: {  	s5 =	sld [smem:$0x3FFB];
	_ =	sdelay $0x3  }
0x94: {  	_ =	strace s5  }
0x95: {  	s5 =	sld [smem:$0x3FFC];
	_ =	sdelay $0x3  }
0x96: {  	_ =	strace s5  }
0x97: {  	s5 =	sld [smem:$0x3FFD];
	_ =	sdelay $0x3  }
0x98: {  	_ =	strace s5  }
0x99: {  	_ =	strace $0x8FFFFFFF  }
0x9a: {  	s19 =	sld [smem:$0x3FDB];
	_ =	sdelay $0x1  }
0x9b: {  	s6 =	simm.s32 $_scs_section_size  }
0x9c: {  	s7 =	simm.s32 $_size__tile_overlayer_lowered;
	s8 =	simm.s32 $_tile_overlayer_lowered  }
0x9d: {  	s22 =	simm.s32 $0x1BFF;
	s21 =	sshll.u32 s8, $0x1;
	s5 =	sadd.s32 s6, s19  }
0x9e: {  	s9 =	simm.s32 $0x0;
	s20 =	sshll.u32 s7, $0x1;
	s7 =	sadd.s32 s21, s5  }
0x9f: {  	[timem:s9], [sflag:s22] =	dma.local [hbm:s7], s20  }
0xa0: {  	_ =	swait.ge [sflag:s22], s20  }
0xa1: {  	s6 =	ssub.s32 $0x0, s20;
	[sflag:s22] =	ssyncset.done $0x0  }
0xa2: {  	[sflag:s22] =	ssyncadd.s32 s6;
	_ =	sdelay $0x1  }
0xa3: {  	s23 =	simm.s32 $0x1B8B  }
0xa4: {  	_ =	swait.ge [sflag:s23], $0x1  }
0xa5: {  	[sflag:s23] =	ssyncset.done $0x0  }
0xa6: {  	s25 =	simm.s32 $0x1B8E;
	s24 =	sld [smem:$0x3FFE];
	[sflag:s23] =	ssyncadd.s32 $0xFFFFFFFF  }
0xa7: {  	s26 =	simm.s32 $execute0_lowered;
	[smem:$0x3FD2] =	sst s25  }
0xa8: {  	s7 =	sshll.u32 s26, $0x1;
	_ =	strace $0x80000046;
	[dreg:$0x1] =	wrdreg $0xFFFFFFFF  }
0xa9: {  	s28 =	simm.s32 $_size_execute0_lowered;
	s5 =	sadd.s32 s5, s7;
	[dreg:$0x0] =	wrdreg $0x0  }
0xaa: {  	s7 =	sshll.u32 s28, $0x1;
	[dreg:$0x2] =	wrdreg s5  }
0xab: {  	[dreg:$0x3] =	wrdreg s7  }
0xac: {  	[dreg:$0x4] =	wrdreg $0xC0  }
0xad: {  	_ =	task [dreg:s9], $0x5FFFF  }
0xae: {  	[dreg:$0x1] =	wrdreg $0xFFFFFFFF  }
0xaf: {  	[dreg:$0x0] =	wrdreg $0x60  }
0xb0: {  	[dreg:$0x2] =	wrdreg s24  }
0xb1: {  	[dreg:$0x3] =	wrdreg s2  }
0xb2: {  	[dreg:$0x4] =	wrdreg s18  }
0xb3: {  	[dreg:$0x5] =	wrdreg s4  }
0xb4: {  	[dreg:$0x6] =	wrdreg $0x9  }
0xb5: {  	_ =	task.clear_ibuf [dreg:s9], $0x7FFFF;
	_ =	strace $0x90000046  }
0xb6: {  	s29 =	simm.s32 $0x9;
	_ =	strace $0x80000048  }
0xb7: {  	_ =	swait.ge [sflag:s29], $0x1  }
0xb8: {  	[sflag:s29] =	ssyncadd.s32 $0xFFFFFFFF  }
0xb9: {  	_ =	strace $0x90000048  }
0xba: {  	_ =	sfence  }
0xbb: {  	s30 =	sld [smem:$0x0];
	_ =	sdelay $0x2  }
0xbc: {  	s31 =	sshll.u32 s1, $0xD;
	s1 =	sshrl.u32 s1, $0x2  }
0xbd: {  	s3 =	sand.u32 $0x4000, s31;
	s1 =	sadd.s32 s1, s30  }
0xbe: {  	s0 =	sor.u32 s3, s0;
	s1 =	sshll.u32 s1, $0x11  }
0xbf: {  	s0 =	sor.u32 s1, s0  }
0xc0: {  	s0 =	sadd.s32 $0x8F2B, s0  }
0xc1: {  	[sflag:s0] =	ssyncadd.remote.s32 $0x1  }
0xc2: {  	_ =	sfence.sel $0xFFFF  }
0xc3: {  	[dreg:$0x0] =	wrdreg $0xFFFFFFFF;
	(pc) =	sbr.abs _section_cstart, $3  }
0xc4: {  	[dreg:$0x1] =	wrdreg $0xFFFFFFFF  }
0xc5: {  	_ =	task.clear_ibuf [dreg:s9], $0x2FFFF;
	_ =	strace $0x9FFFFFFF  }
0xc6: {  	(tm) =	ssettm $0x7FFFFFFF  }
0xc7: {  	_ =	shalt  }
tec
execute0_lowered:
.L_overlay_start_1:
0x0: {  	(tag) =	ssettag $0x1  }
0x1: {  	s0 =	srdreg.scid  }
0x2: {  	s6 =	stileid.u32;
	s2 =	rddreg [dreg:$0x0];
	s3 =	simm.s32 $0x1  }
0x3: {  	s4 =	rddreg [dreg:$0x3];
	s5 =	simm.s32 $0x0;
	s13 =	simm.s32 $0x5  }
0x4: {  	s14 =	simm.s32 $0xC000;
	s16 =	simm.s32 $0xC010;
	s17 =	simm.s32 $0xC020  }
0x5: {  	s18 =	simm.s32 $0xC030;
	s19 =	simm.s32 $0xC040;
	s20 =	simm.s32 $0xC050  }
0x6: {  	s21 =	simm.s32 $0xC060;
	s22 =	simm.s32 $0xC070;
	s23 =	simm.s32 $0x80  }
0x7: {  	s24 =	simm.s32 $0x4000;
	s28 =	simm.s32 $0x3;
	s0 =	sand.u32 $0x1, s0  }
0x8: {  	s29 =	simm.s32 $0x4;
	s30 =	simm.s32 $0x0;
	s1 =	sor.u32 s0, s6  }
0x9: {  	[smem:$0x7FF] =	sst s5;
	p0 =	seq.s32 s0, $0x1;
	p1 =	seq.s32 s1, $0x0  }
0xa: {  	s11 =	sadd.s32 $0x800, s4;
	s25 =	sshll.u32 s0, $0x12;
	p0 =	por !p1, !p0  }
0xb: {  	s8 =	ssub.s32 $0x2, s0;
	s9 =	sshll.u32 s0, $0xC;
	p0 =	por !p0, !p0  }
0xc: {  	s26 =	sshll.u32 s0, $0xF;
	s10 =	sshrl.u32 s8, $0x1;
	s3 =	simm.s32 @!p0 $0x0  }
0xd: {  	s1 =	rddreg [dreg:$0x1];
	s12 =	ssub.s32 s8, s10;
	s3 =	ssub.s32 s6, s3  }
0xe: {  	_ =	strace $0x80000047;
	s12 =	smax.u32 s12, $0x1;
	s7 =	sshll.u32 s3, $0xE  }
0xf: {  	s6 =	simm.s32 $0x1;
	s31 =	sshll.u32 s3, $0x16;
	s7 =	sadd.s32 s25, s7  }
0x10: {  	s10 =	sor.u32 s26, s31;
	s25 =	simm.s32 $0x8000;
	s7 =	sshrl.u32 s7, $0x3  }
0x11: {  	s26 =	simm.s32 $0x2;
	s7 =	sadd.s32 s7, s2;
	s2 =	sadd.s32 s9, s2  }
0x12: {  	s9 =	sshll.u32 s0, $0x8;
	s7 =	sadd.s32 $0x2400, s7;
	s8 =	sadd.s32 $0x400, s2  }
.LBB2_1:
0x13: {  	[tilespmem:s5], [sflag:$0x5] =	stream.linear.gather [hbm4b:s7+s5], $0x4000, $0x38;
	[tilespmem:$0x14400] =	vst v63  }
0x14: {  	_ =	swait.ge [sflag:s13], $0x4000  }
0x15: {  	[sflag:s13] =	ssyncset.done $0x0  }
0x16: {  	[sflag:s13] =	ssyncadd.s32 $0xFFFFC000  }
0x17: {  	[tilespmem:s14], [sflag:$0x5] =	stream.linear.gather [hbm4b:s8+s5], $0x8000, $0x38;
	[tilespmem:$0x14400] =	vst v63  }
0x18: {  	_ =	swait.ge [sflag:s13], $0x8000  }
0x19: {  	[sflag:s13] =	ssyncset.done $0x0  }
0x1a: {  	[sflag:s13] =	ssyncadd.s32 $0xFFFF8000  }
0x1b: {  	s2 =	simm.s32 $0x14000;
	s0 =	rddreg [dreg:$0x2]  }
0x1c: {  	[tilespmem:s2], [sflag:$0x5] =	stream.linear.gather [hbm4b:s0+s5], $0x280, $0x38;
	[tilespmem:$0x14400] =	vst v63  }
0x1d: {  	_ =	swait.ge [sflag:s13], $0x280  }
0x1e: {  	[sflag:s13] =	ssyncset.done $0x0  }
0x1f: {  	[sflag:s13] =	ssyncadd.s32 $0xFFFFFD80  }
0x20: {  	v0 =	vld [tilespmem:s9+$0x14080];
	_ =	sdelay $0x4  }
0x21: {  	[tilespmem:s14+$0x0] =	vst.add.f32.msk $0xffff, v0  }
0x22: {  	v0 =	vld [tilespmem:s9+$0x14090];
	_ =	sdelay $0x4  }
0x23: {  	[tilespmem:s16+$0x0] =	vst.add.f32.msk $0xffff, v0  }
0x24: {  	v0 =	vld [tilespmem:s9+$0x140A0];
	_ =	sdelay $0x4  }
0x25: {  	[tilespmem:s17+$0x0] =	vst.add.f32.msk $0xffff, v0  }
0x26: {  	v0 =	vld [tilespmem:s9+$0x140B0];
	_ =	sdelay $0x4  }
0x27: {  	[tilespmem:s18+$0x0] =	vst.add.f32.msk $0xffff, v0  }
0x28: {  	v0 =	vld [tilespmem:s9+$0x140C0];
	_ =	sdelay $0x4  }
0x29: {  	[tilespmem:s19+$0x0] =	vst.add.f32.msk $0xffff, v0  }
0x2a: {  	v0 =	vld [tilespmem:s9+$0x140D0];
	_ =	sdelay $0x4  }
0x2b: {  	[tilespmem:s20+$0x0] =	vst.add.f32.msk $0xffff, v0  }
0x2c: {  	v0 =	vld [tilespmem:s9+$0x140E0];
	_ =	sdelay $0x4  }
0x2d: {  	[tilespmem:s21+$0x0] =	vst.add.f32.msk $0xffff, v0  }
0x2e: {  	v0 =	vld [tilespmem:s9+$0x140F0];
	_ =	sdelay $0x4  }
0x2f: {  	[tilespmem:s22+$0x0] =	vst.add.f32.msk $0xffff, v0  }
0x30: {  	v0 =	vld [tilespmem:s9+$0x14100];
	_ =	sdelay $0x3  }
0x31: {  	s0 =	simm.s32 $0xC140  }
0x32: {  	[tilespmem:s0+$0xC0] =	vst.add.f32.msk $0xffff, v0  }
0x33: {  	[tilespmem:s0+$0xFFFFFF40] =	vst.add.f32.msk $0xffff, v0  }
0x34: {  	[tilespmem:s0+$0xFFFFFFC0] =	vst.add.f32.msk $0xffff, v0  }
0x35: {  	v1 =	vld [tilespmem:s9+$0x14110]  }
0x36: {  	[tilespmem:s0+$0x40] =	vst.add.f32.msk $0xffff, v0  }
0x37: {  	v0 =	vld [tilespmem:s9+$0x14110]  }
0x38: {  	v2 =	vld [tilespmem:s9+$0x14110]  }
0x39: {  	v3 =	vld [tilespmem:s9+$0x14110]  }
0x3a: {  	[tilespmem:s0+$0xD0] =	vst.add.f32.msk $0xffff, v1  }
0x3b: {  	v1 =	vld [tilespmem:s9+$0x14120]  }
0x3c: {  	[tilespmem:s0+$0xFFFFFF50] =	vst.add.f32.msk $0xffff, v0  }
0x3d: {  	[tilespmem:s0+$0xFFFFFFD0] =	vst.add.f32.msk $0xffff, v2  }
0x3e: {  	v0 =	vld [tilespmem:s9+$0x14120]  }
0x3f: {  	v2 =	vld [tilespmem:s9+$0x14120]  }
0x40: {  	[tilespmem:s0+$0xE0] =	vst.add.f32.msk $0xffff, v1  }
0x41: {  	v1 =	vld [tilespmem:s9+$0x14130]  }
0x42: {  	[tilespmem:s0+$0x50] =	vst.add.f32.msk $0xffff, v3  }
0x43: {  	v3 =	vld [tilespmem:s9+$0x14120]  }
0x44: {  	[tilespmem:s0+$0xFFFFFF60] =	vst.add.f32.msk $0xffff, v0  }
0x45: {  	[tilespmem:s0+$0xFFFFFFE0] =	vst.add.f32.msk $0xffff, v2  }
0x46: {  	[tilespmem:s0+$0xF0] =	vst.add.f32.msk $0xffff, v1  }
0x47: {  	v1 =	vld [tilespmem:s9+$0x14140]  }
0x48: {  	[tilespmem:s0+$0x60] =	vst.add.f32.msk $0xffff, v3  }
0x49: {  	v0 =	vld [tilespmem:s9+$0x14130]  }
0x4a: {  	v2 =	vld [tilespmem:s9+$0x14130]  }
0x4b: {  	v3 =	vld [tilespmem:s9+$0x14130]  }
0x4c: {  	[tilespmem:s0+$0x100] =	vst.add.f32.msk $0xffff, v1  }
0x4d: {  	v1 =	vld [tilespmem:s9+$0x14150]  }
0x4e: {  	[tilespmem:s0+$0xFFFFFF70] =	vst.add.f32.msk $0xffff, v0  }
0x4f: {  	[tilespmem:s0+$0xFFFFFFF0] =	vst.add.f32.msk $0xffff, v2  }
0x50: {  	[tilespmem:s0+$0x70] =	vst.add.f32.msk $0xffff, v3  }
0x51: {  	v0 =	vld [tilespmem:s9+$0x14140]  }
0x52: {  	[tilespmem:s0+$0x110] =	vst.add.f32.msk $0xffff, v1  }
0x53: {  	v1 =	vld [tilespmem:s9+$0x14160]  }
0x54: {  	v2 =	vld [tilespmem:s9+$0x14140]  }
0x55: {  	v3 =	vld [tilespmem:s9+$0x14140]  }
0x56: {  	[tilespmem:s0+$0xFFFFFF80] =	vst.add.f32.msk $0xffff, v0  }
0x57: {  	v0 =	vld [tilespmem:s9+$0x14150]  }
0x58: {  	[tilespmem:s0+$0x120] =	vst.add.f32.msk $0xffff, v1  }
0x59: {  	v1 =	vld [tilespmem:s9+$0x14170]  }
0x5a: {  	[tilespmem:s0+$0x0] =	vst.add.f32.msk $0xffff, v2  }
0x5b: {  	v2 =	vld [tilespmem:s9+$0x14150]  }
0x5c: {  	[tilespmem:s0+$0x80] =	vst.add.f32.msk $0xffff, v3  }
0x5d: {  	[tilespmem:s0+$0xFFFFFF90] =	vst.add.f32.msk $0xffff, v0  }
0x5e: {  	[tilespmem:s0+$0x130] =	vst.add.f32.msk $0xffff, v1  }
0x5f: {  	v1 =	vld [tilespmem:s9+$0x14150]  }
0x60: {  	[tilespmem:s0+$0x10] =	vst.add.f32.msk $0xffff, v2  }
0x61: {  	v0 =	vld [tilespmem:s9+$0x14160]  }
0x62: {  	v2 =	vld [tilespmem:s9+$0x14160];
	_ =	sdelay $0x1  }
0x63: {  	[tilespmem:s0+$0x90] =	vst.add.f32.msk $0xffff, v1  }
0x64: {  	v1 =	vld [tilespmem:s9+$0x14160]  }
0x65: {  	[tilespmem:s0+$0xFFFFFFA0] =	vst.add.f32.msk $0xffff, v0  }
0x66: {  	[tilespmem:s0+$0x20] =	vst.add.f32.msk $0xffff, v2  }
0x67: {  	s3 =	simm.s32 $0x1;
	s2 =	simm.s32 $0xC140;
	v0 =	vld [tilespmem:s9+$0x14170]  }
.LBB2_2:
0x68: {  	v2 =	vld [tilespmem:s9+$0x14100];
	s3 =	sadd.s32 $0x4, s3  }
0x69: {  	p0 =	slt.u32 s3, $0xF9;
	[tilespmem:s0+$0xA0] =	vst.add.f32.msk $0xffff, v1  }
0x6a: {  	v1 =	vld [tilespmem:s9+$0x14170]  }
0x6b: {  	v3 =	vld [tilespmem:s9+$0x14170]  }
0x6c: {  	s0 =	sadd.s32 $0x200, s0;
	[tilespmem:s2+$0xFFFFFFB0] =	vst.add.f32.msk $0xffff, v0  }
0x6d: {  	[tilespmem:s0+$0xC0] =	vst.add.f32.msk $0xffff, v2  }
0x6e: {  	v0 =	vld [tilespmem:s9+$0x14110]  }
0x6f: {  	[tilespmem:s0+$0xFFFFFF40] =	vst.add.f32.msk $0xffff, v2  }
0x70: {  	[tilespmem:s0+$0xFFFFFFC0] =	vst.add.f32.msk $0xffff, v2  }
0x71: {  	[tilespmem:s0+$0x40] =	vst.add.f32.msk $0xffff, v2  }
0x72: {  	v2 =	vld [tilespmem:s9+$0x14110]  }
0x73: {  	[tilespmem:s0+$0xD0] =	vst.add.f32.msk $0xffff, v0  }
0x74: {  	v0 =	vld [tilespmem:s9+$0x14120]  }
0x75: {  	v4 =	vld [tilespmem:s9+$0x14110]  }
0x76: {  	v5 =	vld [tilespmem:s9+$0x14110]  }
0x77: {  	[tilespmem:s0+$0xFFFFFF50] =	vst.add.f32.msk $0xffff, v2  }
0x78: {  	v2 =	vld [tilespmem:s9+$0x14120]  }
0x79: {  	[tilespmem:s0+$0xE0] =	vst.add.f32.msk $0xffff, v0  }
0x7a: {  	v0 =	vld [tilespmem:s9+$0x14130]  }
0x7b: {  	[tilespmem:s0+$0xFFFFFFD0] =	vst.add.f32.msk $0xffff, v4  }
0x7c: {  	[tilespmem:s0+$0x50] =	vst.add.f32.msk $0xffff, v5  }
0x7d: {  	v4 =	vld [tilespmem:s9+$0x14120]  }
0x7e: {  	v5 =	vld [tilespmem:s9+$0x14120]  }
0x7f: {  	[tilespmem:s0+$0xF0] =	vst.add.f32.msk $0xffff, v0  }
0x80: {  	v0 =	vld [tilespmem:s9+$0x14140]  }
0x81: {  	[tilespmem:s0+$0xFFFFFF60] =	vst.add.f32.msk $0xffff, v2  }
0x82: {  	[tilespmem:s0+$0xFFFFFFE0] =	vst.add.f32.msk $0xffff, v4  }
0x83: {  	[tilespmem:s0+$0x60] =	vst.add.f32.msk $0xffff, v5  }
0x84: {  	v2 =	vld [tilespmem:s9+$0x14130]  }
0x85: {  	[tilespmem:s0+$0x100] =	vst.add.f32.msk $0xffff, v0  }
0x86: {  	v0 =	vld [tilespmem:s9+$0x14150]  }
0x87: {  	v4 =	vld [tilespmem:s9+$0x14130]  }
0x88: {  	v5 =	vld [tilespmem:s9+$0x14130]  }
0x89: {  	[tilespmem:s0+$0xFFFFFF70] =	vst.add.f32.msk $0xffff, v2  }
0x8a: {  	v2 =	vld [tilespmem:s9+$0x14140]  }
0x8b: {  	[tilespmem:s0+$0x110] =	vst.add.f32.msk $0xffff, v0  }
0x8c: {  	v0 =	vld [tilespmem:s9+$0x14160]  }
0x8d: {  	[tilespmem:s0+$0xFFFFFFF0] =	vst.add.f32.msk $0xffff, v4  }
0x8e: {  	[tilespmem:s0+$0x70] =	vst.add.f32.msk $0xffff, v5  }
0x8f: {  	v4 =	vld [tilespmem:s9+$0x14140]  }
0x90: {  	v5 =	vld [tilespmem:s9+$0x14140]  }
0x91: {  	[tilespmem:s0+$0x120] =	vst.add.f32.msk $0xffff, v0  }
0x92: {  	v0 =	vld [tilespmem:s9+$0x14170]  }
0x93: {  	[tilespmem:s0+$0xFFFFFF80] =	vst.add.f32.msk $0xffff, v2  }
0x94: {  	[tilespmem:s0+$0x0] =	vst.add.f32.msk $0xffff, v4  }
0x95: {  	[tilespmem:s0+$0x80] =	vst.add.f32.msk $0xffff, v5  }
0x96: {  	v2 =	vld [tilespmem:s9+$0x14150]  }
0x97: {  	s15 =	simm.s32 $0x0;
	[tilespmem:s0+$0x130] =	vst.add.f32.msk $0xffff, v0  }
0x98: {  	v0 =	vld [tilespmem:s9+$0x14150]  }
0x99: {  	v4 =	vld [tilespmem:s9+$0x14150]  }
0x9a: {  	[tilespmem:s2+$0x30] =	vst.add.f32.msk $0xffff, v1  }
0x9b: {  	[tilespmem:s0+$0xFFFFFF90] =	vst.add.f32.msk $0xffff, v2  }
0x9c: {  	v2 =	vld [tilespmem:s9+$0x14160]  }
0x9d: {  	[tilespmem:s0+$0x10] =	vst.add.f32.msk $0xffff, v0  }
0x9e: {  	[tilespmem:s0+$0x90] =	vst.add.f32.msk $0xffff, v4  }
0x9f: {  	v4 =	vld [tilespmem:s9+$0x14160]  }
.Ltmp0:
0xa0: {  	v1 =	vld [tilespmem:s9+$0x14160];
	(pc) =	sbr.rel @p0 .LBB2_2-.Ltmp0, $4  }
0xa1: {  	[tilespmem:s0+$0xFFFFFFA0] =	vst.add.f32.msk $0xffff, v2  }
0xa2: {  	v0 =	vld [tilespmem:s9+$0x14170]  }
0xa3: {  	[tilespmem:s2+$0xB0] =	vst.add.f32.msk $0xffff, v3;
	s2 =	smov.u32 s0  }
0xa4: {  	[tilespmem:s0+$0x20] =	vst.add.f32.msk $0xffff, v4  }
0xa5: {  	[tilespmem:s0+$0xA0] =	vst.add.f32.msk $0xffff, v1  }
0xa6: {  	v63 =	vld [tilespmem:s9+$0x14170]  }
0xa7: {  	v2 =	vld [tilespmem:s9+$0x14170];
	_ =	sdelay $0x2  }
0xa8: {  	[tilespmem:s2+$0xFFFFFFB0] =	vst.add.f32.msk $0xffff, v0  }
0xa9: {  	[tilespmem:s2+$0x30] =	vst.add.f32.msk $0xffff, v63  }
0xaa: {  	[tilespmem:s2+$0xB0] =	vst.add.f32.msk $0xffff, v2  }
.LBB2_4:
0xab: {  	v0 =	vld [tilespmem:s9+$0x14100];
	_ =	sdelay $0x3  }
0xac: {  	s0 =	sshra.s32 s15, $0x2  }
0xad: {  	[tilespmem:s0+$0x13E80] =	vst.add.f32.msk $0xffff, v0  }
0xae: {  	v0 =	vld [tilespmem:s9+$0x14110];
	_ =	sdelay $0x4  }
0xaf: {  	[tilespmem:s0+$0x13E90] =	vst.add.f32.msk $0xffff, v0  }
0xb0: {  	v0 =	vld [tilespmem:s9+$0x14120];
	_ =	sdelay $0x4  }
0xb1: {  	[tilespmem:s0+$0x13EA0] =	vst.add.f32.msk $0xffff, v0  }
0xb2: {  	v0 =	vld [tilespmem:s9+$0x14130];
	_ =	sdelay $0x4  }
0xb3: {  	[tilespmem:s0+$0x13EB0] =	vst.add.f32.msk $0xffff, v0  }
0xb4: {  	v0 =	vld [tilespmem:s9+$0x14140];
	_ =	sdelay $0x4  }
0xb5: {  	[tilespmem:s0+$0x13EC0] =	vst.add.f32.msk $0xffff, v0  }
0xb6: {  	v0 =	vld [tilespmem:s9+$0x14150];
	_ =	sdelay $0x4  }
0xb7: {  	[tilespmem:s0+$0x13ED0] =	vst.add.f32.msk $0xffff, v0  }
0xb8: {  	v0 =	vld [tilespmem:s9+$0x14160];
	_ =	sdelay $0x4  }
0xb9: {  	[tilespmem:s0+$0x13EE0] =	vst.add.f32.msk $0xffff, v0  }
0xba: {  	p0 =	sne.s32 s15, $0x400;
	v0 =	vld [tilespmem:s9+$0x14170]  }
.Ltmp1:
0xbb: {  	_ = 	snop;
	(pc) =	sbr.rel @p0 .LBB2_4-.Ltmp1, $2  }
0xbc: {  	_ =	sdelay $0x2  }
0xbd: {  	s15 =	sadd.s32 $0x200, s15;
	[tilespmem:s0+$0x13EF0] =	vst.add.f32.msk $0xffff, v0  }
0xbe: {  	s31 =	simm.s32 $0x0  }
0xbf: {  	[tilespmem:s24], [sflag:$0x1] =	stream.indirect.gather [hbm4b:s1+s23], $0x80, s31, s23, $0xb8;
	[tilespmem:$0x14400] =	vst v63  }
.LBB2_6:
0xc0: {  	_ =	swait.ge [sflag:s6], $0x4000  }
0xc1: {  	p0 =	seq.s32 s31, $0x0;
	s2 =	sshll.u32 s31, $0x8;
	[sflag:s6] =	ssyncset.done $0x0  }
0xc2: {  	s3 =	sshll.u32 s31, $0x7;
	s0 =	simm.s32 @!p0 $0x4;
	[sflag:s6] =	ssyncadd.s32 $0xFFFFC000  }
0xc3: {  	s2 =	sand.u32 $0x3800, s2;
	s3 =	sand.u32 $0x380, s3;
	_ =	swait.ge @!p0 [sflag:s0], $0x4000  }
0xc4: {  	s2 =	sor.u32 s3, s2;
	[sflag:s0] =	ssyncset.done @!p0 $0x0  }
0xc5: {  	s15 =	sor.u32 $0x400, s2;
	[sflag:s0] =	ssyncadd.s32 @!p0 $0xFFFFC000;
	s0 =	simm.s32 $0x0  }
0xc6: {  	[tilespmem:s25], [sflag:$0x2] =	stream.indirect.gather [hbm4b:s1+s23], $0x80, s15, s23, $0xb8;
	[tilespmem:$0x14400] =	vst v63  }
0xc7: {  	v0 =	vld [tilespmem:s0+$0xC1F0]  }
0xc8: {  	v1 =	vld [tilespmem:s0+$0xC000]  }
0xc9: {  	v2 =	vld [tilespmem:s0+$0xC010]  }
0xca: {  	v3 =	vld [tilespmem:s0+$0xC020]  }
0xcb: {  	v4 =	vld [tilespmem:s0+$0xC030]  }
0xcc: {  	v5 =	vld [tilespmem:s0+$0xC040]  }
0xcd: {  	v6 =	vld [tilespmem:s0+$0xC050]  }
0xce: {  	v7 =	vld [tilespmem:s0+$0xC060]  }
0xcf: {  	v8 =	vld [tilespmem:s0+$0xC070]  }
0xd0: {  	v9 =	vld [tilespmem:s0+$0xC080]  }
0xd1: {  	v10 =	vld [tilespmem:s0+$0xC090]  }
0xd2: {  	v11 =	vld [tilespmem:s0+$0xC0A0]  }
0xd3: {  	v12 =	vld [tilespmem:s0+$0xC0B0]  }
0xd4: {  	v13 =	vld [tilespmem:s0+$0xC0C0]  }
0xd5: {  	v14 =	vld [tilespmem:s0+$0xC0D0]  }
0xd6: {  	v15 =	vld [tilespmem:s0+$0xC0E0]  }
0xd7: {  	v16 =	vld [tilespmem:s0+$0xC0F0]  }
0xd8: {  	v17 =	vld [tilespmem:s0+$0xC100]  }
0xd9: {  	v18 =	vld [tilespmem:s0+$0xC110]  }
0xda: {  	v19 =	vld [tilespmem:s0+$0xC120]  }
0xdb: {  	v20 =	vld [tilespmem:s0+$0xC130]  }
0xdc: {  	v21 =	vld [tilespmem:s0+$0xC140]  }
0xdd: {  	v22 =	vld [tilespmem:s0+$0xC150]  }
0xde: {  	v23 =	vld [tilespmem:s0+$0xC160]  }
0xdf: {  	v24 =	vld [tilespmem:s0+$0xC170]  }
0xe0: {  	v25 =	vld [tilespmem:s0+$0xC180]  }
0xe1: {  	v26 =	vld [tilespmem:s0+$0xC190]  }
0xe2: {  	v27 =	vld [tilespmem:s0+$0xC1A0]  }
0xe3: {  	v28 =	vld [tilespmem:s0+$0xC1B0]  }
0xe4: {  	v29 =	vld [tilespmem:s0+$0xC1C0]  }
0xe5: {  	v30 =	vld [tilespmem:s0+$0xC1D0]  }
0xe6: {  	[tilespmem:s0+$0x41F0] =	vst.add.f32.msk $0xffff, v0  }
0xe7: {  	v0 =	vld [tilespmem:s0+$0xC1E0]  }
0xe8: {  	[tilespmem:s0+$0x4000] =	vst.add.f32.msk $0xffff, v1  }
0xe9: {  	[tilespmem:s0+$0x4010] =	vst.add.f32.msk $0xffff, v2  }
0xea: {  	[tilespmem:s0+$0x4020] =	vst.add.f32.msk $0xffff, v3  }
0xeb: {  	[tilespmem:s0+$0x4030] =	vst.add.f32.msk $0xffff, v4  }
0xec: {  	[tilespmem:s0+$0x4040] =	vst.add.f32.msk $0xffff, v5  }
0xed: {  	[tilespmem:s0+$0x4050] =	vst.add.f32.msk $0xffff, v6  }
0xee: {  	[tilespmem:s0+$0x4060] =	vst.add.f32.msk $0xffff, v7  }
0xef: {  	[tilespmem:s0+$0x4070] =	vst.add.f32.msk $0xffff, v8  }
0xf0: {  	[tilespmem:s0+$0x4080] =	vst.add.f32.msk $0xffff, v9  }
0xf1: {  	[tilespmem:s0+$0x4090] =	vst.add.f32.msk $0xffff, v10  }
0xf2: {  	[tilespmem:s0+$0x40A0] =	vst.add.f32.msk $0xffff, v11  }
0xf3: {  	[tilespmem:s0+$0x40B0] =	vst.add.f32.msk $0xffff, v12  }
0xf4: {  	[tilespmem:s0+$0x40C0] =	vst.add.f32.msk $0xffff, v13  }
0xf5: {  	[tilespmem:s0+$0x40D0] =	vst.add.f32.msk $0xffff, v14  }
0xf6: {  	[tilespmem:s0+$0x40E0] =	vst.add.f32.msk $0xffff, v15  }
0xf7: {  	[tilespmem:s0+$0x40F0] =	vst.add.f32.msk $0xffff, v16  }
0xf8: {  	[tilespmem:s0+$0x4100] =	vst.add.f32.msk $0xffff, v17  }
0xf9: {  	[tilespmem:s0+$0x4110] =	vst.add.f32.msk $0xffff, v18  }
0xfa: {  	[tilespmem:s0+$0x4120] =	vst.add.f32.msk $0xffff, v19  }
0xfb: {  	[tilespmem:s0+$0x4130] =	vst.add.f32.msk $0xffff, v20  }
0xfc: {  	[tilespmem:s0+$0x4140] =	vst.add.f32.msk $0xffff, v21  }
0xfd: {  	[tilespmem:s0+$0x4150] =	vst.add.f32.msk $0xffff, v22  }
0xfe: {  	[tilespmem:s0+$0x4160] =	vst.add.f32.msk $0xffff, v23  }
0xff: {  	[tilespmem:s0+$0x4170] =	vst.add.f32.msk $0xffff, v24  }
0x100: {  	[tilespmem:s0+$0x4180] =	vst.add.f32.msk $0xffff, v25  }
0x101: {  	[tilespmem:s0+$0x4190] =	vst.add.f32.msk $0xffff, v26  }
0x102: {  	[tilespmem:s0+$0x41A0] =	vst.add.f32.msk $0xffff, v27  }
0x103: {  	[tilespmem:s0+$0x41B0] =	vst.add.f32.msk $0xffff, v28  }
0x104: {  	[tilespmem:s0+$0x41C0] =	vst.add.f32.msk $0xffff, v29  }
0x105: {  	s3 =	sshll.u32 s31, $0x1;
	s2 =	simm.s32 $0x0;
	s15 =	simm.s32 $0x800;
	[tilespmem:s0+$0x41D0] =	vst.add.f32.msk $0xffff, v30  }
.LBB2_7:
0x106: {  	s2 =	sadd.s32 $0x4, s2;
	[tilespmem:s0+$0x41E0] =	vst.add.f32.msk $0xffff, v0;
	s0 =	sshra.s32 s15, $0x2  }
0x107: {  	v0 =	vld [tilespmem:s0+$0xC1F0];
	p0 =	slt.u32 s2, $0x7C  }
0x108: {  	v1 =	vld [tilespmem:s0+$0xC000]  }
0x109: {  	v2 =	vld [tilespmem:s0+$0xC010]  }
0x10a: {  	v3 =	vld [tilespmem:s0+$0xC020]  }
0x10b: {  	v4 =	vld [tilespmem:s0+$0xC030]  }
0x10c: {  	[tilespmem:s0+$0x41F0] =	vst.add.f32.msk $0xffff, v0  }
0x10d: {  	v5 =	vld [tilespmem:s0+$0xC040]  }
0x10e: {  	v6 =	vld [tilespmem:s0+$0xC050]  }
0x10f: {  	v7 =	vld [tilespmem:s0+$0xC060]  }
0x110: {  	v8 =	vld [tilespmem:s0+$0xC070]  }
0x111: {  	v9 =	vld [tilespmem:s0+$0xC080]  }
0x112: {  	v10 =	vld [tilespmem:s0+$0xC090]  }
0x113: {  	v11 =	vld [tilespmem:s0+$0xC0A0]  }
0x114: {  	v12 =	vld [tilespmem:s0+$0xC0B0]  }
0x115: {  	v13 =	vld [tilespmem:s0+$0xC0C0]  }
0x116: {  	v14 =	vld [tilespmem:s0+$0xC0D0]  }
0x117: {  	v15 =	vld [tilespmem:s0+$0xC0E0]  }
0x118: {  	v16 =	vld [tilespmem:s0+$0xC0F0]  }
0x119: {  	v17 =	vld [tilespmem:s0+$0xC100]  }
0x11a: {  	v18 =	vld [tilespmem:s0+$0xC110]  }
0x11b: {  	v19 =	vld [tilespmem:s0+$0xC120]  }
0x11c: {  	v20 =	vld [tilespmem:s0+$0xC130]  }
0x11d: {  	v21 =	vld [tilespmem:s0+$0xC140]  }
0x11e: {  	v22 =	vld [tilespmem:s0+$0xC150]  }
0x11f: {  	v23 =	vld [tilespmem:s0+$0xC160]  }
0x120: {  	v24 =	vld [tilespmem:s0+$0xC170]  }
0x121: {  	v25 =	vld [tilespmem:s0+$0xC180]  }
0x122: {  	v26 =	vld [tilespmem:s0+$0xC190]  }
0x123: {  	v27 =	vld [tilespmem:s0+$0xC1A0]  }
0x124: {  	v28 =	vld [tilespmem:s0+$0xC1B0]  }
0x125: {  	v29 =	vld [tilespmem:s0+$0xC1C0]  }
0x126: {  	v30 =	vld [tilespmem:s0+$0xC1D0]  }
0x127: {  	v0 =	vld [tilespmem:s0+$0xC1E0]  }
0x128: {  	[tilespmem:s0+$0x4000] =	vst.add.f32.msk $0xffff, v1  }
0x129: {  	[tilespmem:s0+$0x4010] =	vst.add.f32.msk $0xffff, v2  }
0x12a: {  	[tilespmem:s0+$0x4020] =	vst.add.f32.msk $0xffff, v3  }
0x12b: {  	[tilespmem:s0+$0x4030] =	vst.add.f32.msk $0xffff, v4  }
0x12c: {  	[tilespmem:s0+$0x4040] =	vst.add.f32.msk $0xffff, v5  }
0x12d: {  	[tilespmem:s0+$0x4050] =	vst.add.f32.msk $0xffff, v6  }
0x12e: {  	[tilespmem:s0+$0x4060] =	vst.add.f32.msk $0xffff, v7  }
0x12f: {  	[tilespmem:s0+$0x4070] =	vst.add.f32.msk $0xffff, v8  }
0x130: {  	[tilespmem:s0+$0x4080] =	vst.add.f32.msk $0xffff, v9  }
0x131: {  	[tilespmem:s0+$0x4090] =	vst.add.f32.msk $0xffff, v10  }
0x132: {  	[tilespmem:s0+$0x40A0] =	vst.add.f32.msk $0xffff, v11  }
0x133: {  	[tilespmem:s0+$0x40B0] =	vst.add.f32.msk $0xffff, v12  }
0x134: {  	[tilespmem:s0+$0x40C0] =	vst.add.f32.msk $0xffff, v13  }
0x135: {  	[tilespmem:s0+$0x40D0] =	vst.add.f32.msk $0xffff, v14  }
0x136: {  	[tilespmem:s0+$0x40E0] =	vst.add.f32.msk $0xffff, v15  }
0x137: {  	[tilespmem:s0+$0x40F0] =	vst.add.f32.msk $0xffff, v16  }
0x138: {  	[tilespmem:s0+$0x4100] =	vst.add.f32.msk $0xffff, v17  }
0x139: {  	[tilespmem:s0+$0x4110] =	vst.add.f32.msk $0xffff, v18  }
0x13a: {  	[tilespmem:s0+$0x4120] =	vst.add.f32.msk $0xffff, v19  }
0x13b: {  	[tilespmem:s0+$0x4130] =	vst.add.f32.msk $0xffff, v20  }
0x13c: {  	[tilespmem:s0+$0x4140] =	vst.add.f32.msk $0xffff, v21  }
0x13d: {  	[tilespmem:s0+$0x4150] =	vst.add.f32.msk $0xffff, v22  }
0x13e: {  	[tilespmem:s0+$0x4160] =	vst.add.f32.msk $0xffff, v23  }
0x13f: {  	[tilespmem:s0+$0x4170] =	vst.add.f32.msk $0xffff, v24  }
0x140: {  	[tilespmem:s0+$0x4180] =	vst.add.f32.msk $0xffff, v25  }
.Ltmp2:
0x141: {  	[tilespmem:s0+$0x4190] =	vst.add.f32.msk $0xffff, v26;
	(pc) =	sbr.rel @p0 .LBB2_7-.Ltmp2, $4  }
0x142: {  	[tilespmem:s0+$0x41A0] =	vst.add.f32.msk $0xffff, v27  }
0x143: {  	[tilespmem:s0+$0x41B0] =	vst.add.f32.msk $0xffff, v28  }
0x144: {  	[tilespmem:s0+$0x41C0] =	vst.add.f32.msk $0xffff, v29  }
0x145: {  	s15 =	sadd.s32 $0x800, s15;
	[tilespmem:s0+$0x41D0] =	vst.add.f32.msk $0xffff, v30  }
0x146: {  	s2 =	sshll.u32 s31, $0x10  }
0x147: {  	s2 =	sadd.s32 s10, s2  }
0x148: {  	s2 =	sshrl.u32 s2, $0x3  }
0x149: {  	[tilespmem:s0+$0x41E0] =	vst.add.f32.msk $0xffff, v0;
	s15 =	sadd.s32 s4, s2  }
0x14a: {  	[hbm4b:s15+s5] =	stream.linear.scatter [tilespmem:s24], [sflag:$0x3], $0x4000, $0x38;
	[tilespmem:$0x14400] =	vst v63  }
0x14b: {  	p0 =	seq.s32 s31, $0x3F;
	_ =	swait.ge [sflag:s26], $0x4000  }
0x14c: {  	s0 =	sadd.s32 @!p0 $0x2, s3;
	[sflag:s26] =	ssyncset.done $0x0  }
0x14d: {  	s3 =	sshll.u32 @!p0 s0, $0x7;
	s0 =	sshll.u32 @!p0 s0, $0x6;
	[sflag:s26] =	ssyncadd.s32 $0xFFFFC000  }
0x14e: {  	s3 =	sand.u32 @!p0 $0x7800, s3;
	s0 =	sand.u32 @!p0 $0x380, s0;
	_ =	swait.ge [sflag:s28], $0x4000  }
0x14f: {  	s0 =	sor.u32 @!p0 s0, s3;
	[sflag:s28] =	ssyncset.done $0x0  }
0x150: {  	s3 =	simm.s32 @!p0 $0x80;
	s15 =	simm.s32 @!p0 $0x4000;
	[sflag:s28] =	ssyncadd.s32 $0xFFFFC000  }
0x151: {  	[tilespmem:s15], [sflag:$0x1] =	stream.indirect.gather @!p0 [hbm4b:s1+s3], $0x80, s0, s3, $0xb8;
	[tilespmem:$0x14400] =	vst v63  }
0x152: {  	s0 =	simm.s32 $0x0  }
0x153: {  	v0 =	vld [tilespmem:s0+$0x101F0]  }
0x154: {  	v1 =	vld [tilespmem:s0+$0x10000]  }
0x155: {  	v2 =	vld [tilespmem:s0+$0x10010]  }
0x156: {  	v3 =	vld [tilespmem:s0+$0x10020]  }
0x157: {  	v4 =	vld [tilespmem:s0+$0x10030]  }
0x158: {  	v5 =	vld [tilespmem:s0+$0x10040]  }
0x159: {  	v6 =	vld [tilespmem:s0+$0x10050]  }
0x15a: {  	v7 =	vld [tilespmem:s0+$0x10060]  }
0x15b: {  	v8 =	vld [tilespmem:s0+$0x10070]  }
0x15c: {  	v9 =	vld [tilespmem:s0+$0x10080]  }
0x15d: {  	v10 =	vld [tilespmem:s0+$0x10090]  }
0x15e: {  	v11 =	vld [tilespmem:s0+$0x100A0]  }
0x15f: {  	v12 =	vld [tilespmem:s0+$0x100B0]  }
0x160: {  	v13 =	vld [tilespmem:s0+$0x100C0]  }
0x161: {  	v14 =	vld [tilespmem:s0+$0x100D0]  }
0x162: {  	v15 =	vld [tilespmem:s0+$0x100E0]  }
0x163: {  	v16 =	vld [tilespmem:s0+$0x100F0]  }
0x164: {  	v17 =	vld [tilespmem:s0+$0x10100]  }
0x165: {  	v18 =	vld [tilespmem:s0+$0x10110]  }
0x166: {  	v19 =	vld [tilespmem:s0+$0x10120]  }
0x167: {  	v20 =	vld [tilespmem:s0+$0x10130]  }
0x168: {  	v21 =	vld [tilespmem:s0+$0x10140]  }
0x169: {  	v22 =	vld [tilespmem:s0+$0x10150]  }
0x16a: {  	v23 =	vld [tilespmem:s0+$0x10160]  }
0x16b: {  	v24 =	vld [tilespmem:s0+$0x10170]  }
0x16c: {  	v25 =	vld [tilespmem:s0+$0x10180]  }
0x16d: {  	v26 =	vld [tilespmem:s0+$0x10190]  }
0x16e: {  	v27 =	vld [tilespmem:s0+$0x101A0]  }
0x16f: {  	v28 =	vld [tilespmem:s0+$0x101B0]  }
0x170: {  	v29 =	vld [tilespmem:s0+$0x101C0]  }
0x171: {  	v30 =	vld [tilespmem:s0+$0x101D0]  }
0x172: {  	[tilespmem:s0+$0x81F0] =	vst.add.f32.msk $0xffff, v0  }
0x173: {  	v0 =	vld [tilespmem:s0+$0x101E0]  }
0x174: {  	[tilespmem:s0+$0x8000] =	vst.add.f32.msk $0xffff, v1  }
0x175: {  	[tilespmem:s0+$0x8010] =	vst.add.f32.msk $0xffff, v2  }
0x176: {  	[tilespmem:s0+$0x8020] =	vst.add.f32.msk $0xffff, v3  }
0x177: {  	[tilespmem:s0+$0x8030] =	vst.add.f32.msk $0xffff, v4  }
0x178: {  	[tilespmem:s0+$0x8040] =	vst.add.f32.msk $0xffff, v5  }
0x179: {  	[tilespmem:s0+$0x8050] =	vst.add.f32.msk $0xffff, v6  }
0x17a: {  	[tilespmem:s0+$0x8060] =	vst.add.f32.msk $0xffff, v7  }
0x17b: {  	[tilespmem:s0+$0x8070] =	vst.add.f32.msk $0xffff, v8  }
0x17c: {  	[tilespmem:s0+$0x8080] =	vst.add.f32.msk $0xffff, v9  }
0x17d: {  	[tilespmem:s0+$0x8090] =	vst.add.f32.msk $0xffff, v10  }
0x17e: {  	[tilespmem:s0+$0x80A0] =	vst.add.f32.msk $0xffff, v11  }
0x17f: {  	[tilespmem:s0+$0x80B0] =	vst.add.f32.msk $0xffff, v12  }
0x180: {  	[tilespmem:s0+$0x80C0] =	vst.add.f32.msk $0xffff, v13  }
0x181: {  	[tilespmem:s0+$0x80D0] =	vst.add.f32.msk $0xffff, v14  }
0x182: {  	[tilespmem:s0+$0x80E0] =	vst.add.f32.msk $0xffff, v15  }
0x183: {  	[tilespmem:s0+$0x80F0] =	vst.add.f32.msk $0xffff, v16  }
0x184: {  	[tilespmem:s0+$0x8100] =	vst.add.f32.msk $0xffff, v17  }
0x185: {  	[tilespmem:s0+$0x8110] =	vst.add.f32.msk $0xffff, v18  }
0x186: {  	[tilespmem:s0+$0x8120] =	vst.add.f32.msk $0xffff, v19  }
0x187: {  	[tilespmem:s0+$0x8130] =	vst.add.f32.msk $0xffff, v20  }
0x188: {  	[tilespmem:s0+$0x8140] =	vst.add.f32.msk $0xffff, v21  }
0x189: {  	[tilespmem:s0+$0x8150] =	vst.add.f32.msk $0xffff, v22  }
0x18a: {  	[tilespmem:s0+$0x8160] =	vst.add.f32.msk $0xffff, v23  }
0x18b: {  	[tilespmem:s0+$0x8170] =	vst.add.f32.msk $0xffff, v24  }
0x18c: {  	[tilespmem:s0+$0x8180] =	vst.add.f32.msk $0xffff, v25  }
0x18d: {  	[tilespmem:s0+$0x8190] =	vst.add.f32.msk $0xffff, v26  }
0x18e: {  	[tilespmem:s0+$0x81A0] =	vst.add.f32.msk $0xffff, v27  }
0x18f: {  	[tilespmem:s0+$0x81B0] =	vst.add.f32.msk $0xffff, v28  }
0x190: {  	[tilespmem:s0+$0x81C0] =	vst.add.f32.msk $0xffff, v29  }
0x191: {  	s3 =	simm.s32 $0x0;
	s15 =	simm.s32 $0x800;
	[tilespmem:s0+$0x81D0] =	vst.add.f32.msk $0xffff, v30  }
.LBB2_9:
0x192: {  	s3 =	sadd.s32 $0x4, s3;
	[tilespmem:s0+$0x81E0] =	vst.add.f32.msk $0xffff, v0;
	s0 =	sshra.s32 s15, $0x2  }
0x193: {  	v0 =	vld [tilespmem:s0+$0x101F0];
	p0 =	slt.u32 s3, $0x7C  }
0x194: {  	v1 =	vld [tilespmem:s0+$0x10000]  }
0x195: {  	v2 =	vld [tilespmem:s0+$0x10010]  }
0x196: {  	v3 =	vld [tilespmem:s0+$0x10020]  }
0x197: {  	v4 =	vld [tilespmem:s0+$0x10030]  }
0x198: {  	[tilespmem:s0+$0x81F0] =	vst.add.f32.msk $0xffff, v0  }
0x199: {  	v5 =	vld [tilespmem:s0+$0x10040]  }
0x19a: {  	v6 =	vld [tilespmem:s0+$0x10050]  }
0x19b: {  	v7 =	vld [tilespmem:s0+$0x10060]  }
0x19c: {  	v8 =	vld [tilespmem:s0+$0x10070]  }
0x19d: {  	v9 =	vld [tilespmem:s0+$0x10080]  }
0x19e: {  	v10 =	vld [tilespmem:s0+$0x10090]  }
0x19f: {  	v11 =	vld [tilespmem:s0+$0x100A0]  }
0x1a0: {  	v12 =	vld [tilespmem:s0+$0x100B0]  }
0x1a1: {  	v13 =	vld [tilespmem:s0+$0x100C0]  }
0x1a2: {  	v14 =	vld [tilespmem:s0+$0x100D0]  }
0x1a3: {  	v15 =	vld [tilespmem:s0+$0x100E0]  }
0x1a4: {  	v16 =	vld [tilespmem:s0+$0x100F0]  }
0x1a5: {  	v17 =	vld [tilespmem:s0+$0x10100]  }
0x1a6: {  	v18 =	vld [tilespmem:s0+$0x10110]  }
0x1a7: {  	v19 =	vld [tilespmem:s0+$0x10120]  }
0x1a8: {  	v20 =	vld [tilespmem:s0+$0x10130]  }
0x1a9: {  	v21 =	vld [tilespmem:s0+$0x10140]  }
0x1aa: {  	v22 =	vld [tilespmem:s0+$0x10150]  }
0x1ab: {  	v23 =	vld [tilespmem:s0+$0x10160]  }
0x1ac: {  	v24 =	vld [tilespmem:s0+$0x10170]  }
0x1ad: {  	v25 =	vld [tilespmem:s0+$0x10180]  }
0x1ae: {  	v26 =	vld [tilespmem:s0+$0x10190]  }
0x1af: {  	v27 =	vld [tilespmem:s0+$0x101A0]  }
0x1b0: {  	v28 =	vld [tilespmem:s0+$0x101B0]  }
0x1b1: {  	v29 =	vld [tilespmem:s0+$0x101C0]  }
0x1b2: {  	v30 =	vld [tilespmem:s0+$0x101D0]  }
0x1b3: {  	v0 =	vld [tilespmem:s0+$0x101E0]  }
0x1b4: {  	[tilespmem:s0+$0x8000] =	vst.add.f32.msk $0xffff, v1  }
0x1b5: {  	[tilespmem:s0+$0x8010] =	vst.add.f32.msk $0xffff, v2  }
0x1b6: {  	[tilespmem:s0+$0x8020] =	vst.add.f32.msk $0xffff, v3  }
0x1b7: {  	[tilespmem:s0+$0x8030] =	vst.add.f32.msk $0xffff, v4  }
0x1b8: {  	[tilespmem:s0+$0x8040] =	vst.add.f32.msk $0xffff, v5  }
0x1b9: {  	[tilespmem:s0+$0x8050] =	vst.add.f32.msk $0xffff, v6  }
0x1ba: {  	[tilespmem:s0+$0x8060] =	vst.add.f32.msk $0xffff, v7  }
0x1bb: {  	[tilespmem:s0+$0x8070] =	vst.add.f32.msk $0xffff, v8  }
0x1bc: {  	[tilespmem:s0+$0x8080] =	vst.add.f32.msk $0xffff, v9  }
0x1bd: {  	[tilespmem:s0+$0x8090] =	vst.add.f32.msk $0xffff, v10  }
0x1be: {  	[tilespmem:s0+$0x80A0] =	vst.add.f32.msk $0xffff, v11  }
0x1bf: {  	[tilespmem:s0+$0x80B0] =	vst.add.f32.msk $0xffff, v12  }
0x1c0: {  	[tilespmem:s0+$0x80C0] =	vst.add.f32.msk $0xffff, v13  }
0x1c1: {  	[tilespmem:s0+$0x80D0] =	vst.add.f32.msk $0xffff, v14  }
0x1c2: {  	[tilespmem:s0+$0x80E0] =	vst.add.f32.msk $0xffff, v15  }
0x1c3: {  	[tilespmem:s0+$0x80F0] =	vst.add.f32.msk $0xffff, v16  }
0x1c4: {  	[tilespmem:s0+$0x8100] =	vst.add.f32.msk $0xffff, v17  }
0x1c5: {  	[tilespmem:s0+$0x8110] =	vst.add.f32.msk $0xffff, v18  }
0x1c6: {  	[tilespmem:s0+$0x8120] =	vst.add.f32.msk $0xffff, v19  }
0x1c7: {  	[tilespmem:s0+$0x8130] =	vst.add.f32.msk $0xffff, v20  }
0x1c8: {  	[tilespmem:s0+$0x8140] =	vst.add.f32.msk $0xffff, v21  }
0x1c9: {  	[tilespmem:s0+$0x8150] =	vst.add.f32.msk $0xffff, v22  }
0x1ca: {  	[tilespmem:s0+$0x8160] =	vst.add.f32.msk $0xffff, v23  }
0x1cb: {  	[tilespmem:s0+$0x8170] =	vst.add.f32.msk $0xffff, v24  }
0x1cc: {  	[tilespmem:s0+$0x8180] =	vst.add.f32.msk $0xffff, v25  }
.Ltmp3:
0x1cd: {  	[tilespmem:s0+$0x8190] =	vst.add.f32.msk $0xffff, v26;
	(pc) =	sbr.rel @p0 .LBB2_9-.Ltmp3, $4  }
0x1ce: {  	[tilespmem:s0+$0x81A0] =	vst.add.f32.msk $0xffff, v27  }
0x1cf: {  	[tilespmem:s0+$0x81B0] =	vst.add.f32.msk $0xffff, v28  }
0x1d0: {  	[tilespmem:s0+$0x81C0] =	vst.add.f32.msk $0xffff, v29  }
0x1d1: {  	s15 =	sadd.s32 $0x800, s15;
	[tilespmem:s0+$0x81D0] =	vst.add.f32.msk $0xffff, v30  }
0x1d2: {  	s31 =	sadd.s32 $0x1, s31  }
0x1d3: {  	p0 =	sne.s32 s31, $0x40  }
.Ltmp4:
0x1d4: {  	_ = 	snop;
	(pc) =	sbr.rel @p0 .LBB2_6-.Ltmp4, $3  }
0x1d5: {  	_ =	sdelay $0x1  }
0x1d6: {  	[tilespmem:s0+$0x81E0] =	vst.add.f32.msk $0xffff, v0;
	s15 =	sadd.s32 s2, s11  }
0x1d7: {  	[hbm4b:s15+s5] =	stream.linear.scatter [tilespmem:s25], [sflag:$0x4], $0x4000, $0x38;
	[tilespmem:$0x14400] =	vst v63  }
0x1d8: {  	s30 =	sadd.s32 $0x1, s30  }
0x1d9: {  	p0 =	sne.s32 s30, s12  }
.Ltmp5:
0x1da: {  	_ = 	snop;
	(pc) =	sbr.rel @p0 .LBB2_1-.Ltmp5, $4  }
0x1db: {  	_ = 	snop  }
0x1dc: {  	_ =	swait.ge [sflag:s29], $0x4000  }
0x1dd: {  	[sflag:s29] =	ssyncset.done $0x0  }
0x1de: {  	[sflag:s29] =	ssyncadd.s32 $0xFFFFC000  }
0x1df: {  	_ =	sfence.sel $0x180000  }
0x1e0: {  	[bflag:$0x0] =	sbarrier.arrive $0xFFFF  }
0x1e1: {  	_ =	strace $0x90000047  }
0x1e2: {  	s0 =	stileid.u32;
	[bflag:$0x2] =	sbarrier.arrive $0xFFFF  }
0x1e3: {  	p0 =	sne.s32 s0, $0x0;
	s0 =	rddreg [dreg:$0x4]  }
0x1e4: {  	s0 =	sadd.s32 @!p0 $0x100000, s0  }
0x1e5: {  	[sflag:s0] =	ssyncadd.tile.s32 @!p0 $0x1;
	_ =	shalt  }
.Lfunc_end2:
_tile_overlayer_lowered:
.L_overlay_start_2:
0x1e6: {  	(tag) =	ssettag $0x2  }
0x1e7: {  	s0 =	rddreg [dreg:$0x0];
	s2 =	stileid.u32  }
0x1e8: {  	s1 =	rddreg [dreg:$0x1];
	p0 =	sne.s32 s2, $0x0  }
0x1e9: {  	s3 =	rddreg [dreg:$0x2];
	[bflag:$0x3] =	sbarrier.arrive $0xFFFF;
	s2 =	simm.s32 @!p0 $0x1C05  }
0x1ea: {  	[timem:s3], [sflag:s2] =	dma.local @!p0 [hbm:s0], s1  }
0x1eb: {  	s0 =	simm.s32 @!p0 $0x5  }
0x1ec: {  	_ =	swait.ge @!p0 [sflag:s0], s1  }
0x1ed: {  	s1 =	ssub.s32 @!p0 $0x0, s1;
	[sflag:s0] =	ssyncset.done @!p0 $0x0  }
0x1ee: {  	[sflag:s0] =	ssyncadd.s32 @!p0 s1  }
0x1ef: {  	[bflag:$0x3] =	sbarrier.arrive $0xFFFF  }
0x1f0: {  	_ =	shalt  }

</sc_bundles>
